<compile_context>
chip_gen: v7x
topology: tpu7x:2x2x1
jax: 0.10.2.dev20260603
libtpu: 0.0.44.dev20260713+nightly
codegen_flags: <defaults>
</compile_context>

<pallas_src>
import functools

import jax
import jax.numpy as jnp
from jax import lax
from jax.experimental import pallas as pl
from jax.experimental.pallas import tpu as pltpu
from jax.experimental.pallas import tpu_sc as plsc

B, T, V = 16, 50, 100000
TH = T // 2


def _sc_scores_body(x_hbm, y_hbm, scores_hbm, y_v, blk_v, row_v, sem):
    c = lax.axis_index("c")
    s = lax.axis_index("s")
    r = c * 8 + lax.rem(s, 8)
    h = s // 8
    lanes = lax.iota(jnp.int32, 16)

    pltpu.sync_copy(y_hbm.at[r], y_v)
    ycs = [y_v[pl.ds(base, 16)] for base in (0, 16, 32, 34)]

    def extract(t):
        yc = jnp.where(
            t < 16, ycs[0], jnp.where(t < 32, ycs[1], jnp.where(t < 48, ycs[2], ycs[3]))
        )
        base = jnp.where(t < 16, 0, jnp.where(t < 32, 16, jnp.where(t < 48, 32, 34)))
        yk = jnp.sum(jnp.where(lanes == t - base, yc, 0))
        ya = (yk // 128) * 128
        return ya, yk - ya

    t0 = h * TH

    def fire(u, carry):
        ya, _ = extract(t0 + u)
        pltpu.async_copy(x_hbm.at[t0 + u, :, pl.ds(ya, 128)], blk_v.at[u], sem)
        return carry

    lax.fori_loop(0, TH, fire, 0, unroll=2)

    pltpu.make_async_copy(x_hbm.at[pl.ds(0, TH), :, pl.ds(0, 128)], blk_v, sem).wait()

    def drain(u, acc):
        _, ym = extract(t0 + u)
        col = plsc.load_gather(
            blk_v, [jnp.full((16,), u, jnp.int32), lanes, jnp.full((16,), ym, jnp.int32)]
        )
        return acc + jnp.minimum(jnp.maximum(col, -30.0), 30.0)

    acc = lax.fori_loop(0, TH, drain, jnp.zeros((16,), jnp.float32), unroll=2)
    row_v[...] = acc
    pltpu.sync_copy(row_v, scores_hbm.at[h, r])


def _sc_scores(xT, y):
    mesh = plsc.VectorSubcoreMesh(core_axis_name="c", subcore_axis_name="s")
    kern = functools.partial(
        pl.kernel,
        mesh=mesh,
        compiler_params=pltpu.CompilerParams(needs_layout_passes=False, skip_device_barrier=True),
        out_type=jax.ShapeDtypeStruct((2, B, B), jnp.float32),
        scratch_types=[
            pltpu.VMEM((T,), jnp.int32),
            pltpu.VMEM((TH, 16, 128), jnp.float32),
            pltpu.VMEM((16,), jnp.float32),
            pltpu.SemaphoreType.DMA,
        ],
    )(_sc_scores_body)
    return kern(xT, y)


def _combine_body(sp_ref, loss_ref, corr_ref):
    s = sp_ref[0] + sp_ref[1]
    m = jnp.max(s, axis=1, keepdims=True)
    e = jnp.exp(s - m)
    denom = jnp.log(jnp.sum(e, axis=1, keepdims=True)) + m
    ii = lax.broadcasted_iota(jnp.int32, (B, B), 0)
    jj = lax.broadcasted_iota(jnp.int32, (B, B), 1)
    num = jnp.sum(jnp.where(ii == jj, s, 0.0), axis=1, keepdims=True)
    lt = num - denom
    loss_ref[...] = (-jnp.sum(lt) / (B * T))[None, None]
    corr_ref[...] = (jnp.sum(jnp.exp(lt)) * T)[None, None]


_combine = pl.pallas_call(
    _combine_body,
    compiler_params=pltpu.CompilerParams(skip_device_barrier=True),
    out_shape=(
        jax.ShapeDtypeStruct((1, 1), jnp.float32),
        jax.ShapeDtypeStruct((1, 1), jnp.float32),
    ),
)


def kernel(x, Y):
    xT = x.transpose(1, 0, 2)
    scores_p = _sc_scores(xT, Y.astype(jnp.int32))
    loss, corr = _combine(scores_p)
    return (loss[0, 0], corr[0, 0])

# --- scband reference (transcript-rebuilt; emitter-appended) ---
"""Pipeline reference for scband-info-nceloss-7103875907855 (READ-ONLY COPY).

The authoritative reference and input builder live on the scoring server;
editing this copy changes nothing except your own understanding.
"""

import jax, jax.numpy as jnp
import numpy as np

B, T, V = 16, 50, 100000

def setup_inputs(seed: int = 0) -> dict:
    key = jax.random.key(seed)
    k1, k2 = jax.random.split(key)
    x = jax.random.normal(k1, (B, T, V), dtype=jnp.float32)
    Y = jax.random.randint(k2, (B, T), 0, V, dtype=jnp.int64)
    return {"x": x, "Y": Y}

def reference(x, Y):
    # InfoNCELoss.forward with precomputed=x, supervised branch, batch_num=0,
    # R=0, l2_reg=0 -> buffers A_neg and B are all -inf so logaddexp is identity.
    xc = jnp.clip(x, -30.0, 30.0)
    # numerator[i] = sum_t xc[i, t, Y[i, t]]  (input.gather(2, Y.unsqueeze(2)).sum(dim=1))
    numerator = jnp.take_along_axis(xc, Y[:, :, None], axis=2).sum(axis=1).squeeze(-1)  # [B]
    # scores[i, j] = sum_t xc[j, t, Y[i, t]]  (input.gather(2, Y[i].repeat(B,1).unsqueeze(2)).sum(dim=1))
    def score_row(yi):
        idx = jnp.broadcast_to(yi[None, :, None], (B, T, 1))
        return jnp.take_along_axis(xc, idx, axis=2).sum(axis=1).squeeze(-1)  # [B]
    scores = jax.vmap(score_row)(Y)  # [B, B]
    # denominator_neg[i] = logsumexp over j != i of scores[i, j]
    mask = ~jnp.eye(B, dtype=bool)
    neg = jnp.where(mask, scores, -jnp.inf)
    denom_neg = jax.scipy.special.logsumexp(neg, axis=1)  # [B]
    denominator = jnp.logaddexp(numerator, denom_neg)
    # denominator_ = denominator logaddexp(-inf) logaddexp(-inf) = denominator
    loss_terms = numerator - denominator  # loss list entries
    correct = jnp.exp(loss_terms).sum() * T  # sum([l.exp() for l in loss]) * T
    loss = -loss_terms.sum()
    loss = loss / (B * T)  # avg=True
    return (loss, correct)

if __name__ == "__main__":
    import jax
    _d = setup_inputs()
    print(jax.jit(kernel)(*tuple(_d.values())))

</pallas_src>

<mosaic_0001>
#map = affine_map<(d0, d1) -> (0, 0, 0)>
#map1 = affine_map<(d0, d1) -> (0, 0)>
module attributes {stable_mosaic.version = 14 : i64} {
  func.func @_sc_scores_body(%arg0: i32, %arg1: i32, %arg2: memref<50x16x100000xf32, #tpu.memory_space<hbm>>, %arg3: memref<16x50xi32, #tpu.memory_space<hbm>>, %arg4: memref<2x16x16xf32, #tpu.memory_space<hbm>>, %arg5: memref<50xi32, #tpu.memory_space<vmem>>, %arg6: memref<25x16x128xf32, #tpu.memory_space<vmem>>, %arg7: memref<16xf32, #tpu.memory_space<vmem>>, %arg8: memref<!tpu.dma_semaphore, #tpu.memory_space<semaphore_mem>>) attributes {dimension_semantics = [#tpu.dimension_semantics<core_parallel>, #tpu.dimension_semantics<subcore_parallel>], iteration_bounds = array<i64: 2, 16>, scalar_prefetch = 0 : i64, scratch_operands = 4 : i64, tpu.core_type = #tpu.core_type<sc_vector_subcore>, window_params = [{transform_indices = #map}, {transform_indices = #map1}, {transform_indices = #map}]} {
    %mul3A = arith.constant 8 : i32
    %mul3A_0 = arith.muli %arg0, %mul3A : i32
    %rem3A = arith.constant 8 : i32
    %rem3A_1 = arith.remsi %arg1, %rem3A : i32
    %add3A = arith.addi %mul3A_0, %rem3A_1 : i32
    %jit3A = arith.constant 8 : i32
    %div3A = arith.divsi %arg1, %jit3A : i32
    %sign3A = arith.constant 0 : i32
    %sign3A_2 = arith.cmpi sgt, %arg1, %sign3A : i32
    %sign3A_3 = arith.extui %sign3A_2 : i1 to i32
    %sign3A_4 = arith.constant 0 : i32
    %sign3A_5 = arith.cmpi slt, %arg1, %sign3A_4 : i32
    %sign3A_6 = arith.extui %sign3A_5 : i1 to i32
    %sign3A_7 = arith.subi %sign3A_3, %sign3A_6 : i32
    %sign3A_8 = arith.constant 0 : i32
    %sign3A_9 = arith.cmpi sgt, %jit3A, %sign3A_8 : i32
    %sign3A_10 = arith.extui %sign3A_9 : i1 to i32
    %sign3A_11 = arith.constant 0 : i32
    %sign3A_12 = arith.cmpi slt, %jit3A, %sign3A_11 : i32
    %sign3A_13 = arith.extui %sign3A_12 : i1 to i32
    %sign3A_14 = arith.subi %sign3A_10, %sign3A_13 : i32
    %ne3A = arith.cmpi ne, %sign3A_7, %sign3A_14 : i32
    %rem3A_15 = arith.remsi %arg1, %jit3A : i32
    %ne3A_16 = arith.constant 0 : i32
    %ne3A_17 = arith.cmpi ne, %rem3A_15, %ne3A_16 : i32
    %and3A = arith.andi %ne3A, %ne3A_17 : i1
    %sub3A = arith.constant 1 : i32
    %sub3A_18 = arith.subi %div3A, %sub3A : i32
    %select_n3A = arith.select %and3A, %sub3A_18, %div3A : i32
    %iota3A = tpu.iota {dimensions = array<i32: 0>} : vector<16xi32>
    "tpu.region"() ({
      %run_scoped3A = tpu.sem_alloc : memref<!tpu.dma_semaphore, #tpu.memory_space<semaphore_mem>>
      %dma_start3A_190 = arith.constant 0 : i32
      %dma_start3A_191 = tpu.memref_slice %arg3[%add3A, %dma_start3A_190] : memref<16x50xi32, #tpu.memory_space<hbm>> -> memref<1x50xi32, #tpu.memory_space<hbm>>
      %dma_start3A_192 = tpu.memref_squeeze %dma_start3A_191 : memref<1x50xi32, #tpu.memory_space<hbm>> -> memref<50xi32, #tpu.memory_space<hbm>>
      %dma_start3A_193 = arith.constant 0 : i32
      %dma_start3A_194 = tpu.memref_slice %arg3[%add3A, %dma_start3A_193] : memref<16x50xi32, #tpu.memory_space<hbm>> -> memref<1x50xi32, #tpu.memory_space<hbm>>
      %dma_start3A_195 = tpu.memref_squeeze %dma_start3A_194 : memref<1x50xi32, #tpu.memory_space<hbm>> -> memref<50xi32, #tpu.memory_space<hbm>>
      tpu.enqueue_dma source(%dma_start3A_195 : memref<50xi32, #tpu.memory_space<hbm>>) target(%arg5 : memref<50xi32, #tpu.memory_space<vmem>>) target_semaphore(%run_scoped3A : memref<!tpu.dma_semaphore, #tpu.memory_space<semaphore_mem>>)
      %dma_wait3A_196 = arith.constant 0 : i32
      %dma_wait3A_197 = tpu.memref_slice %arg3[%add3A, %dma_wait3A_196] : memref<16x50xi32, #tpu.memory_space<hbm>> -> memref<1x50xi32, #tpu.memory_space<hbm>>
      %dma_wait3A_198 = tpu.memref_squeeze %dma_wait3A_197 : memref<1x50xi32, #tpu.memory_space<hbm>> -> memref<50xi32, #tpu.memory_space<hbm>>
      %dma_wait3A_199 = arith.constant 0 : i32
      %dma_wait3A_200 = tpu.memref_slice %arg3[%add3A, %dma_wait3A_199] : memref<16x50xi32, #tpu.memory_space<hbm>> -> memref<1x50xi32, #tpu.memory_space<hbm>>
      %dma_wait3A_201 = tpu.memref_squeeze %dma_wait3A_200 : memref<1x50xi32, #tpu.memory_space<hbm>> -> memref<50xi32, #tpu.memory_space<hbm>>
      tpu.wait_dma2 semaphore(%run_scoped3A : memref<!tpu.dma_semaphore, #tpu.memory_space<semaphore_mem>>) src(%dma_wait3A_201 : memref<50xi32, #tpu.memory_space<hbm>>) dst(%arg5 : memref<50xi32, #tpu.memory_space<vmem>>)
      tpu.yield
    }) : () -> ()
    %get3A = arith.constant 0 : index
    %get3A_19 = tpu.vector_load %arg5[%get3A] {strides = array<i32>} : memref<50xi32, #tpu.memory_space<vmem>>, vector<16xi32>,
    %get3A_20 = arith.constant 16 : index
    %get3A_21 = tpu.vector_load %arg5[%get3A_20] {strides = array<i32>} : memref<50xi32, #tpu.memory_space<vmem>>, vector<16xi32>,
    %get3A_22 = arith.constant 32 : index
    %get3A_23 = tpu.vector_load %arg5[%get3A_22] {strides = array<i32>} : memref<50xi32, #tpu.memory_space<vmem>>, vector<16xi32>,
    %get3A_24 = arith.constant 34 : index
    %get3A_25 = tpu.vector_load %arg5[%get3A_24] {strides = array<i32>} : memref<50xi32, #tpu.memory_space<vmem>>, vector<16xi32>,
    %mul3A_26 = arith.constant 25 : i32
    %mul3A_27 = arith.muli %select_n3A, %mul3A_26 : i32
    %scan3A = arith.constant 0 : i32
    %scan3A_28 = arith.constant 0 : i32
    %scan3A_29 = arith.constant 24 : i32
    %scan3A_30 = arith.addi %scan3A_28, %scan3A_29 : i32
    %scan3A_31 = arith.constant 2 : i32
    scf.for %scan3A_190 = %scan3A_28 to %scan3A_30 step %scan3A_31  : i32 {
      %add3A_191 = arith.addi %mul3A_27, %scan3A_190 : i32
      %lt3A_192 = arith.constant 16 : i32
      %lt3A_193 = arith.cmpi slt, %add3A_191, %lt3A_192 : i32
      %lt3A_194 = arith.constant 32 : i32
      %lt3A_195 = arith.cmpi slt, %add3A_191, %lt3A_194 : i32
      %lt3A_196 = arith.constant 48 : i32
      %lt3A_197 = arith.cmpi slt, %add3A_191, %lt3A_196 : i32
      %select_n3A_198 = arith.select %lt3A_197, %get3A_23, %get3A_25 : vector<16xi32>
      %select_n3A_199 = arith.select %lt3A_195, %get3A_21, %select_n3A_198 : vector<16xi32>
      %select_n3A_200 = arith.select %lt3A_193, %get3A_19, %select_n3A_199 : vector<16xi32>
      %lt3A_201 = arith.constant 16 : i32
      %lt3A_202 = arith.cmpi slt, %add3A_191, %lt3A_201 : i32
      %lt3A_203 = arith.constant 32 : i32
      %lt3A_204 = arith.cmpi slt, %add3A_191, %lt3A_203 : i32
      %lt3A_205 = arith.constant 48 : i32
      %lt3A_206 = arith.cmpi slt, %add3A_191, %lt3A_205 : i32
      %jit3A_207 = arith.constant 32 : i32
      %jit3A_208 = arith.constant 34 : i32
      %select_n3A_209 = arith.select %lt3A_206, %jit3A_207, %jit3A_208 : i32
      %jit3A_210 = arith.constant 16 : i32
      %select_n3A_211 = arith.select %lt3A_204, %jit3A_210, %select_n3A_209 : i32
      %jit3A_212 = arith.constant 0 : i32
      %select_n3A_213 = arith.select %lt3A_202, %jit3A_212, %select_n3A_211 : i32
      %sub3A_214 = arith.subi %add3A_191, %select_n3A_213 : i32
      %eq3A_215 = vector.broadcast %sub3A_214 : i32 to vector<16xi32>
      %eq3A_216 = arith.cmpi eq, %iota3A, %eq3A_215 : vector<16xi32>
      %jit3A_217 = arith.constant 0 : i32
      %broadcast_in_dim3A_218 = vector.broadcast %jit3A_217 : i32 to vector<16xi32>
      %select_n3A_219 = arith.select %eq3A_216, %select_n3A_200, %broadcast_in_dim3A_218 : vector<16xi1>, vector<16xi32>
      %reduce_sum3A_220 = arith.constant true
      %reduce_sum3A_221 = vector.broadcast %reduce_sum3A_220 : i1 to vector<16xi1>
      %reduce_sum3A_222 = tpu.scan <sum>, %select_n3A_219 masked %reduce_sum3A_221 : vector<16xi32>, vector<16xi1> -> vector<16xi32>
      %reduce_sum3A_223 = vector.extract %reduce_sum3A_222[15] : i32 from vector<16xi32>
      %jit3A_224 = arith.constant 128 : i32
      %div3A_225 = arith.divsi %reduce_sum3A_223, %jit3A_224 : i32
      %sign3A_226 = arith.constant 0 : i32
      %sign3A_227 = arith.cmpi sgt, %reduce_sum3A_223, %sign3A_226 : i32
      %sign3A_228 = arith.extui %sign3A_227 : i1 to i32
      %sign3A_229 = arith.constant 0 : i32
      %sign3A_230 = arith.cmpi slt, %reduce_sum3A_223, %sign3A_229 : i32
      %sign3A_231 = arith.extui %sign3A_230 : i1 to i32
      %sign3A_232 = arith.subi %sign3A_228, %sign3A_231 : i32
      %sign3A_233 = arith.constant 0 : i32
      %sign3A_234 = arith.cmpi sgt, %jit3A_224, %sign3A_233 : i32
      %sign3A_235 = arith.extui %sign3A_234 : i1 to i32
      %sign3A_236 = arith.constant 0 : i32
      %sign3A_237 = arith.cmpi slt, %jit3A_224, %sign3A_236 : i32
      %sign3A_238 = arith.extui %sign3A_237 : i1 to i32
      %sign3A_239 = arith.subi %sign3A_235, %sign3A_238 : i32
      %ne3A_240 = arith.cmpi ne, %sign3A_232, %sign3A_239 : i32
      %rem3A_241 = arith.remsi %reduce_sum3A_223, %jit3A_224 : i32
      %ne3A_242 = arith.constant 0 : i32
      %ne3A_243 = arith.cmpi ne, %rem3A_241, %ne3A_242 : i32
      %and3A_244 = arith.andi %ne3A_240, %ne3A_243 : i1
      %sub3A_245 = arith.constant 1 : i32
      %sub3A_246 = arith.subi %div3A_225, %sub3A_245 : i32
      %select_n3A_247 = arith.select %and3A_244, %sub3A_246, %div3A_225 : i32
      %mul3A_248 = arith.constant 128 : i32
      %mul3A_249 = arith.muli %select_n3A_247, %mul3A_248 : i32
      %sub3A_250 = arith.subi %reduce_sum3A_223, %mul3A_249 : i32
      %add3A_251 = arith.addi %mul3A_27, %scan3A_190 : i32
      %dma_start3A_252 = arith.constant 0 : i32
      %dma_start3A_253 = arith.constant 0 : i32
      %dma_start3A_254 = tpu.memref_slice %arg6[%scan3A_190, %dma_start3A_252, %dma_start3A_253] : memref<25x16x128xf32, #tpu.memory_space<vmem>> -> memref<1x16x128xf32, #tpu.memory_space<vmem>>
      %dma_start3A_255 = tpu.memref_squeeze %dma_start3A_254 : memref<1x16x128xf32, #tpu.memory_space<vmem>> -> memref<16x128xf32, #tpu.memory_space<vmem>>
      %dma_start3A_256 = arith.constant 0 : i32
      %dma_start3A_257 = tpu.memref_slice %arg2[%add3A_251, %dma_start3A_256, %mul3A_249] : memref<50x16x100000xf32, #tpu.memory_space<hbm>> -> memref<1x16x128xf32, #tpu.memory_space<hbm>>
      %dma_start3A_258 = tpu.memref_squeeze %dma_start3A_257 : memref<1x16x128xf32, #tpu.memory_space<hbm>> -> memref<16x128xf32, #tpu.memory_space<hbm>>
      %dma_start3A_259 = arith.constant 0 : i32
      %dma_start3A_260 = arith.constant 0 : i32
      %dma_start3A_261 = tpu.memref_slice %arg6[%scan3A_190, %dma_start3A_259, %dma_start3A_260] : memref<25x16x128xf32, #tpu.memory_space<vmem>> -> memref<1x16x128xf32, #tpu.memory_space<vmem>>
      %dma_start3A_262 = tpu.memref_squeeze %dma_start3A_261 : memref<1x16x128xf32, #tpu.memory_space<vmem>> -> memref<16x128xf32, #tpu.memory_space<vmem>>
      %dma_start3A_263 = arith.constant 0 : i32
      %dma_start3A_264 = tpu.memref_slice %arg2[%add3A_251, %dma_start3A_263, %mul3A_249] : memref<50x16x100000xf32, #tpu.memory_space<hbm>> -> memref<1x16x128xf32, #tpu.memory_space<hbm>>
      %dma_start3A_265 = tpu.memref_squeeze %dma_start3A_264 : memref<1x16x128xf32, #tpu.memory_space<hbm>> -> memref<16x128xf32, #tpu.memory_space<hbm>>
      tpu.enqueue_dma source(%dma_start3A_265 : memref<16x128xf32, #tpu.memory_space<hbm>>) target(%dma_start3A_262 : memref<16x128xf32, #tpu.memory_space<vmem>>) target_semaphore(%arg8 : memref<!tpu.dma_semaphore, #tpu.memory_space<semaphore_mem>>)
      %scan3A_266 = arith.constant 1 : i32
      %scan3A_267 = arith.addi %scan3A_190, %scan3A_266 : i32
      %add3A_268 = arith.addi %mul3A_27, %scan3A_267 : i32
      %lt3A_269 = arith.constant 16 : i32
      %lt3A_270 = arith.cmpi slt, %add3A_268, %lt3A_269 : i32
      %lt3A_271 = arith.constant 32 : i32
      %lt3A_272 = arith.cmpi slt, %add3A_268, %lt3A_271 : i32
      %lt3A_273 = arith.constant 48 : i32
      %lt3A_274 = arith.cmpi slt, %add3A_268, %lt3A_273 : i32
      %select_n3A_275 = arith.select %lt3A_274, %get3A_23, %get3A_25 : vector<16xi32>
      %select_n3A_276 = arith.select %lt3A_272, %get3A_21, %select_n3A_275 : vector<16xi32>
      %select_n3A_277 = arith.select %lt3A_270, %get3A_19, %select_n3A_276 : vector<16xi32>
      %lt3A_278 = arith.constant 16 : i32
      %lt3A_279 = arith.cmpi slt, %add3A_268, %lt3A_278 : i32
      %lt3A_280 = arith.constant 32 : i32
      %lt3A_281 = arith.cmpi slt, %add3A_268, %lt3A_280 : i32
      %lt3A_282 = arith.constant 48 : i32
      %lt3A_283 = arith.cmpi slt, %add3A_268, %lt3A_282 : i32
      %jit3A_284 = arith.constant 32 : i32
      %jit3A_285 = arith.constant 34 : i32
      %select_n3A_286 = arith.select %lt3A_283, %jit3A_284, %jit3A_285 : i32
      %jit3A_287 = arith.constant 16 : i32
      %select_n3A_288 = arith.select %lt3A_281, %jit3A_287, %select_n3A_286 : i32
      %jit3A_289 = arith.constant 0 : i32
      %select_n3A_290 = arith.select %lt3A_279, %jit3A_289, %select_n3A_288 : i32
      %sub3A_291 = arith.subi %add3A_268, %select_n3A_290 : i32
      %eq3A_292 = vector.broadcast %sub3A_291 : i32 to vector<16xi32>
      %eq3A_293 = arith.cmpi eq, %iota3A, %eq3A_292 : vector<16xi32>
      %jit3A_294 = arith.constant 0 : i32
      %broadcast_in_dim3A_295 = vector.broadcast %jit3A_294 : i32 to vector<16xi32>
      %select_n3A_296 = arith.select %eq3A_293, %select_n3A_277, %broadcast_in_dim3A_295 : vector<16xi1>, vector<16xi32>
      %reduce_sum3A_297 = arith.constant true
      %reduce_sum3A_298 = vector.broadcast %reduce_sum3A_297 : i1 to vector<16xi1>
      %reduce_sum3A_299 = tpu.scan <sum>, %select_n3A_296 masked %reduce_sum3A_298 : vector<16xi32>, vector<16xi1> -> vector<16xi32>
      %reduce_sum3A_300 = vector.extract %reduce_sum3A_299[15] : i32 from vector<16xi32>
      %jit3A_301 = arith.constant 128 : i32
      %div3A_302 = arith.divsi %reduce_sum3A_300, %jit3A_301 : i32
      %sign3A_303 = arith.constant 0 : i32
      %sign3A_304 = arith.cmpi sgt, %reduce_sum3A_300, %sign3A_303 : i32
      %sign3A_305 = arith.extui %sign3A_304 : i1 to i32
      %sign3A_306 = arith.constant 0 : i32
      %sign3A_307 = arith.cmpi slt, %reduce_sum3A_300, %sign3A_306 : i32
      %sign3A_308 = arith.extui %sign3A_307 : i1 to i32
      %sign3A_309 = arith.subi %sign3A_305, %sign3A_308 : i32
      %sign3A_310 = arith.constant 0 : i32
      %sign3A_311 = arith.cmpi sgt, %jit3A_301, %sign3A_310 : i32
      %sign3A_312 = arith.extui %sign3A_311 : i1 to i32
      %sign3A_313 = arith.constant 0 : i32
      %sign3A_314 = arith.cmpi slt, %jit3A_301, %sign3A_313 : i32
      %sign3A_315 = arith.extui %sign3A_314 : i1 to i32
      %sign3A_316 = arith.subi %sign3A_312, %sign3A_315 : i32
      %ne3A_317 = arith.cmpi ne, %sign3A_309, %sign3A_316 : i32
      %rem3A_318 = arith.remsi %reduce_sum3A_300, %jit3A_301 : i32
      %ne3A_319 = arith.constant 0 : i32
      %ne3A_320 = arith.cmpi ne, %rem3A_318, %ne3A_319 : i32
      %and3A_321 = arith.andi %ne3A_317, %ne3A_320 : i1
      %sub3A_322 = arith.constant 1 : i32
      %sub3A_323 = arith.subi %div3A_302, %sub3A_322 : i32
      %select_n3A_324 = arith.select %and3A_321, %sub3A_323, %div3A_302 : i32
      %mul3A_325 = arith.constant 128 : i32
      %mul3A_326 = arith.muli %select_n3A_324, %mul3A_325 : i32
      %sub3A_327 = arith.subi %reduce_sum3A_300, %mul3A_326 : i32
      %add3A_328 = arith.addi %mul3A_27, %scan3A_267 : i32
      %dma_start3A_329 = arith.constant 0 : i32
      %dma_start3A_330 = arith.constant 0 : i32
      %dma_start3A_331 = tpu.memref_slice %arg6[%scan3A_267, %dma_start3A_329, %dma_start3A_330] : memref<25x16x128xf32, #tpu.memory_space<vmem>> -> memref<1x16x128xf32, #tpu.memory_space<vmem>>
      %dma_start3A_332 = tpu.memref_squeeze %dma_start3A_331 : memref<1x16x128xf32, #tpu.memory_space<vmem>> -> memref<16x128xf32, #tpu.memory_space<vmem>>
      %dma_start3A_333 = arith.constant 0 : i32
      %dma_start3A_334 = tpu.memref_slice %arg2[%add3A_328, %dma_start3A_333, %mul3A_326] : memref<50x16x100000xf32, #tpu.memory_space<hbm>> -> memref<1x16x128xf32, #tpu.memory_space<hbm>>
      %dma_start3A_335 = tpu.memref_squeeze %dma_start3A_334 : memref<1x16x128xf32, #tpu.memory_space<hbm>> -> memref<16x128xf32, #tpu.memory_space<hbm>>
      %dma_start3A_336 = arith.constant 0 : i32
      %dma_start3A_337 = arith.constant 0 : i32
      %dma_start3A_338 = tpu.memref_slice %arg6[%scan3A_267, %dma_start3A_336, %dma_start3A_337] : memref<25x16x128xf32, #tpu.memory_space<vmem>> -> memref<1x16x128xf32, #tpu.memory_space<vmem>>
      %dma_start3A_339 = tpu.memref_squeeze %dma_start3A_338 : memref<1x16x128xf32, #tpu.memory_space<vmem>> -> memref<16x128xf32, #tpu.memory_space<vmem>>
      %dma_start3A_340 = arith.constant 0 : i32
      %dma_start3A_341 = tpu.memref_slice %arg2[%add3A_328, %dma_start3A_340, %mul3A_326] : memref<50x16x100000xf32, #tpu.memory_space<hbm>> -> memref<1x16x128xf32, #tpu.memory_space<hbm>>
      %dma_start3A_342 = tpu.memref_squeeze %dma_start3A_341 : memref<1x16x128xf32, #tpu.memory_space<hbm>> -> memref<16x128xf32, #tpu.memory_space<hbm>>
      tpu.enqueue_dma source(%dma_start3A_342 : memref<16x128xf32, #tpu.memory_space<hbm>>) target(%dma_start3A_339 : memref<16x128xf32, #tpu.memory_space<vmem>>) target_semaphore(%arg8 : memref<!tpu.dma_semaphore, #tpu.memory_space<semaphore_mem>>)
    }
    %scan3A_32 = arith.constant 24 : i32
    %scan3A_33 = arith.addi %scan3A_28, %scan3A_32 : i32
    %add3A_34 = arith.addi %mul3A_27, %scan3A_33 : i32
    %lt3A = arith.constant 16 : i32
    %lt3A_35 = arith.cmpi slt, %add3A_34, %lt3A : i32
    %lt3A_36 = arith.constant 32 : i32
    %lt3A_37 = arith.cmpi slt, %add3A_34, %lt3A_36 : i32
    %lt3A_38 = arith.constant 48 : i32
    %lt3A_39 = arith.cmpi slt, %add3A_34, %lt3A_38 : i32
    %select_n3A_40 = arith.select %lt3A_39, %get3A_23, %get3A_25 : vector<16xi32>
    %select_n3A_41 = arith.select %lt3A_37, %get3A_21, %select_n3A_40 : vector<16xi32>
    %select_n3A_42 = arith.select %lt3A_35, %get3A_19, %select_n3A_41 : vector<16xi32>
    %lt3A_43 = arith.constant 16 : i32
    %lt3A_44 = arith.cmpi slt, %add3A_34, %lt3A_43 : i32
    %lt3A_45 = arith.constant 32 : i32
    %lt3A_46 = arith.cmpi slt, %add3A_34, %lt3A_45 : i32
    %lt3A_47 = arith.constant 48 : i32
    %lt3A_48 = arith.cmpi slt, %add3A_34, %lt3A_47 : i32
    %jit3A_49 = arith.constant 32 : i32
    %jit3A_50 = arith.constant 34 : i32
    %select_n3A_51 = arith.select %lt3A_48, %jit3A_49, %jit3A_50 : i32
    %jit3A_52 = arith.constant 16 : i32
    %select_n3A_53 = arith.select %lt3A_46, %jit3A_52, %select_n3A_51 : i32
    %jit3A_54 = arith.constant 0 : i32
    %select_n3A_55 = arith.select %lt3A_44, %jit3A_54, %select_n3A_53 : i32
    %sub3A_56 = arith.subi %add3A_34, %select_n3A_55 : i32
    %eq3A = vector.broadcast %sub3A_56 : i32 to vector<16xi32>
    %eq3A_57 = arith.cmpi eq, %iota3A, %eq3A : vector<16xi32>
    %jit3A_58 = arith.constant 0 : i32
    %broadcast_in_dim3A = vector.broadcast %jit3A_58 : i32 to vector<16xi32>
    %select_n3A_59 = arith.select %eq3A_57, %select_n3A_42, %broadcast_in_dim3A : vector<16xi1>, vector<16xi32>
    %reduce_sum3A = arith.constant true
    %reduce_sum3A_60 = vector.broadcast %reduce_sum3A : i1 to vector<16xi1>
    %reduce_sum3A_61 = tpu.scan <sum>, %select_n3A_59 masked %reduce_sum3A_60 : vector<16xi32>, vector<16xi1> -> vector<16xi32>
    %reduce_sum3A_62 = vector.extract %reduce_sum3A_61[15] : i32 from vector<16xi32>
    %jit3A_63 = arith.constant 128 : i32
    %div3A_64 = arith.divsi %reduce_sum3A_62, %jit3A_63 : i32
    %sign3A_65 = arith.constant 0 : i32
    %sign3A_66 = arith.cmpi sgt, %reduce_sum3A_62, %sign3A_65 : i32
    %sign3A_67 = arith.extui %sign3A_66 : i1 to i32
    %sign3A_68 = arith.constant 0 : i32
    %sign3A_69 = arith.cmpi slt, %reduce_sum3A_62, %sign3A_68 : i32
    %sign3A_70 = arith.extui %sign3A_69 : i1 to i32
    %sign3A_71 = arith.subi %sign3A_67, %sign3A_70 : i32
    %sign3A_72 = arith.constant 0 : i32
    %sign3A_73 = arith.cmpi sgt, %jit3A_63, %sign3A_72 : i32
    %sign3A_74 = arith.extui %sign3A_73 : i1 to i32
    %sign3A_75 = arith.constant 0 : i32
    %sign3A_76 = arith.cmpi slt, %jit3A_63, %sign3A_75 : i32
    %sign3A_77 = arith.extui %sign3A_76 : i1 to i32
    %sign3A_78 = arith.subi %sign3A_74, %sign3A_77 : i32
    %ne3A_79 = arith.cmpi ne, %sign3A_71, %sign3A_78 : i32
    %rem3A_80 = arith.remsi %reduce_sum3A_62, %jit3A_63 : i32
    %ne3A_81 = arith.constant 0 : i32
    %ne3A_82 = arith.cmpi ne, %rem3A_80, %ne3A_81 : i32
    %and3A_83 = arith.andi %ne3A_79, %ne3A_82 : i1
    %sub3A_84 = arith.constant 1 : i32
    %sub3A_85 = arith.subi %div3A_64, %sub3A_84 : i32
    %select_n3A_86 = arith.select %and3A_83, %sub3A_85, %div3A_64 : i32
    %mul3A_87 = arith.constant 128 : i32
    %mul3A_88 = arith.muli %select_n3A_86, %mul3A_87 : i32
    %sub3A_89 = arith.subi %reduce_sum3A_62, %mul3A_88 : i32
    %add3A_90 = arith.addi %mul3A_27, %scan3A_33 : i32
    %dma_start3A = arith.constant 0 : i32
    %dma_start3A_91 = arith.constant 0 : i32
    %dma_start3A_92 = tpu.memref_slice %arg6[%scan3A_33, %dma_start3A, %dma_start3A_91] : memref<25x16x128xf32, #tpu.memory_space<vmem>> -> memref<1x16x128xf32, #tpu.memory_space<vmem>>
    %dma_start3A_93 = tpu.memref_squeeze %dma_start3A_92 : memref<1x16x128xf32, #tpu.memory_space<vmem>> -> memref<16x128xf32, #tpu.memory_space<vmem>>
    %dma_start3A_94 = arith.constant 0 : i32
    %dma_start3A_95 = tpu.memref_slice %arg2[%add3A_90, %dma_start3A_94, %mul3A_88] : memref<50x16x100000xf32, #tpu.memory_space<hbm>> -> memref<1x16x128xf32, #tpu.memory_space<hbm>>
    %dma_start3A_96 = tpu.memref_squeeze %dma_start3A_95 : memref<1x16x128xf32, #tpu.memory_space<hbm>> -> memref<16x128xf32, #tpu.memory_space<hbm>>
    %dma_start3A_97 = arith.constant 0 : i32
    %dma_start3A_98 = arith.constant 0 : i32
    %dma_start3A_99 = tpu.memref_slice %arg6[%scan3A_33, %dma_start3A_97, %dma_start3A_98] : memref<25x16x128xf32, #tpu.memory_space<vmem>> -> memref<1x16x128xf32, #tpu.memory_space<vmem>>
    %dma_start3A_100 = tpu.memref_squeeze %dma_start3A_99 : memref<1x16x128xf32, #tpu.memory_space<vmem>> -> memref<16x128xf32, #tpu.memory_space<vmem>>
    %dma_start3A_101 = arith.constant 0 : i32
    %dma_start3A_102 = tpu.memref_slice %arg2[%add3A_90, %dma_start3A_101, %mul3A_88] : memref<50x16x100000xf32, #tpu.memory_space<hbm>> -> memref<1x16x128xf32, #tpu.memory_space<hbm>>
    %dma_start3A_103 = tpu.memref_squeeze %dma_start3A_102 : memref<1x16x128xf32, #tpu.memory_space<hbm>> -> memref<16x128xf32, #tpu.memory_space<hbm>>
    tpu.enqueue_dma source(%dma_start3A_103 : memref<16x128xf32, #tpu.memory_space<hbm>>) target(%dma_start3A_100 : memref<16x128xf32, #tpu.memory_space<vmem>>) target_semaphore(%arg8 : memref<!tpu.dma_semaphore, #tpu.memory_space<semaphore_mem>>)
    %scan3A_104 = arith.constant 25 : i32
    %dma_wait3A = arith.constant 0 : i32
    %dma_wait3A_105 = arith.constant 0 : i32
    %dma_wait3A_106 = arith.constant 0 : i32
    %dma_wait3A_107 = tpu.memref_slice %arg2[%dma_wait3A, %dma_wait3A_105, %dma_wait3A_106] : memref<50x16x100000xf32, #tpu.memory_space<hbm>> -> memref<25x16x128xf32, #tpu.memory_space<hbm>>
    %dma_wait3A_108 = arith.constant 0 : i32
    %dma_wait3A_109 = arith.constant 0 : i32
    %dma_wait3A_110 = arith.constant 0 : i32
    %dma_wait3A_111 = tpu.memref_slice %arg2[%dma_wait3A_108, %dma_wait3A_109, %dma_wait3A_110] : memref<50x16x100000xf32, #tpu.memory_space<hbm>> -> memref<25x16x128xf32, #tpu.memory_space<hbm>>
    tpu.wait_dma2 semaphore(%arg8 : memref<!tpu.dma_semaphore, #tpu.memory_space<semaphore_mem>>) src(%dma_wait3A_111 : memref<25x16x128xf32, #tpu.memory_space<hbm>>) dst(%arg6 : memref<25x16x128xf32, #tpu.memory_space<vmem>>)
    %broadcast_in_dim3A_112 = arith.constant 0.000000e+00 : f32
    %broadcast_in_dim3A_113 = vector.broadcast %broadcast_in_dim3A_112 : f32 to vector<16xf32>
    %scan3A_114 = arith.constant 0 : i32
    %scan3A_115 = arith.constant 24 : i32
    %scan3A_116 = arith.addi %scan3A_114, %scan3A_115 : i32
    %scan3A_117 = arith.constant 2 : i32
    %scan3A_118 = scf.for %scan3A_190 = %scan3A_114 to %scan3A_116 step %scan3A_117 iter_args(%scan3A_191 = %broadcast_in_dim3A_113) -> (vector<16xf32>)  : i32 {
      %add3A_192 = arith.addi %mul3A_27, %scan3A_190 : i32
      %lt3A_193 = arith.constant 16 : i32
      %lt3A_194 = arith.cmpi slt, %add3A_192, %lt3A_193 : i32
      %lt3A_195 = arith.constant 32 : i32
      %lt3A_196 = arith.cmpi slt, %add3A_192, %lt3A_195 : i32
      %lt3A_197 = arith.constant 48 : i32
      %lt3A_198 = arith.cmpi slt, %add3A_192, %lt3A_197 : i32
      %select_n3A_199 = arith.select %lt3A_198, %get3A_23, %get3A_25 : vector<16xi32>
      %select_n3A_200 = arith.select %lt3A_196, %get3A_21, %select_n3A_199 : vector<16xi32>
      %select_n3A_201 = arith.select %lt3A_194, %get3A_19, %select_n3A_200 : vector<16xi32>
      %lt3A_202 = arith.constant 16 : i32
      %lt3A_203 = arith.cmpi slt, %add3A_192, %lt3A_202 : i32
      %lt3A_204 = arith.constant 32 : i32
      %lt3A_205 = arith.cmpi slt, %add3A_192, %lt3A_204 : i32
      %lt3A_206 = arith.constant 48 : i32
      %lt3A_207 = arith.cmpi slt, %add3A_192, %lt3A_206 : i32
      %jit3A_208 = arith.constant 32 : i32
      %jit3A_209 = arith.constant 34 : i32
      %select_n3A_210 = arith.select %lt3A_207, %jit3A_208, %jit3A_209 : i32
      %jit3A_211 = arith.constant 16 : i32
      %select_n3A_212 = arith.select %lt3A_205, %jit3A_211, %select_n3A_210 : i32
      %jit3A_213 = arith.constant 0 : i32
      %select_n3A_214 = arith.select %lt3A_203, %jit3A_213, %select_n3A_212 : i32
      %sub3A_215 = arith.subi %add3A_192, %select_n3A_214 : i32
      %eq3A_216 = vector.broadcast %sub3A_215 : i32 to vector<16xi32>
      %eq3A_217 = arith.cmpi eq, %iota3A, %eq3A_216 : vector<16xi32>
      %jit3A_218 = arith.constant 0 : i32
      %broadcast_in_dim3A_219 = vector.broadcast %jit3A_218 : i32 to vector<16xi32>
      %select_n3A_220 = arith.select %eq3A_217, %select_n3A_201, %broadcast_in_dim3A_219 : vector<16xi1>, vector<16xi32>
      %reduce_sum3A_221 = arith.constant true
      %reduce_sum3A_222 = vector.broadcast %reduce_sum3A_221 : i1 to vector<16xi1>
      %reduce_sum3A_223 = tpu.scan <sum>, %select_n3A_220 masked %reduce_sum3A_222 : vector<16xi32>, vector<16xi1> -> vector<16xi32>
      %reduce_sum3A_224 = vector.extract %reduce_sum3A_223[15] : i32 from vector<16xi32>
      %jit3A_225 = arith.constant 128 : i32
      %div3A_226 = arith.divsi %reduce_sum3A_224, %jit3A_225 : i32
      %sign3A_227 = arith.constant 0 : i32
      %sign3A_228 = arith.cmpi sgt, %reduce_sum3A_224, %sign3A_227 : i32
      %sign3A_229 = arith.extui %sign3A_228 : i1 to i32
      %sign3A_230 = arith.constant 0 : i32
      %sign3A_231 = arith.cmpi slt, %reduce_sum3A_224, %sign3A_230 : i32
      %sign3A_232 = arith.extui %sign3A_231 : i1 to i32
      %sign3A_233 = arith.subi %sign3A_229, %sign3A_232 : i32
      %sign3A_234 = arith.constant 0 : i32
      %sign3A_235 = arith.cmpi sgt, %jit3A_225, %sign3A_234 : i32
      %sign3A_236 = arith.extui %sign3A_235 : i1 to i32
      %sign3A_237 = arith.constant 0 : i32
      %sign3A_238 = arith.cmpi slt, %jit3A_225, %sign3A_237 : i32
      %sign3A_239 = arith.extui %sign3A_238 : i1 to i32
      %sign3A_240 = arith.subi %sign3A_236, %sign3A_239 : i32
      %ne3A_241 = arith.cmpi ne, %sign3A_233, %sign3A_240 : i32
      %rem3A_242 = arith.remsi %reduce_sum3A_224, %jit3A_225 : i32
      %ne3A_243 = arith.constant 0 : i32
      %ne3A_244 = arith.cmpi ne, %rem3A_242, %ne3A_243 : i32
      %and3A_245 = arith.andi %ne3A_241, %ne3A_244 : i1
      %sub3A_246 = arith.constant 1 : i32
      %sub3A_247 = arith.subi %div3A_226, %sub3A_246 : i32
      %select_n3A_248 = arith.select %and3A_245, %sub3A_247, %div3A_226 : i32
      %mul3A_249 = arith.constant 128 : i32
      %mul3A_250 = arith.muli %select_n3A_248, %mul3A_249 : i32
      %sub3A_251 = arith.subi %reduce_sum3A_224, %mul3A_250 : i32
      %broadcast_in_dim3A_252 = vector.broadcast %scan3A_190 : i32 to vector<16xi32>
      %broadcast_in_dim3A_253 = vector.broadcast %sub3A_251 : i32 to vector<16xi32>
      %gather3A_254 = tpu.vector_load_idx %arg6[%broadcast_in_dim3A_252, %iota3A, %broadcast_in_dim3A_253] : memref<25x16x128xf32, #tpu.memory_space<vmem>>[vector<16xi32>, vector<16xi32>, vector<16xi32>], vector<16xf32>,
      %max3A_255 = arith.constant -3.000000e+01 : f32
      %max3A_256 = vector.broadcast %max3A_255 : f32 to vector<16xf32>
      %max3A_257 = arith.maximumf %gather3A_254, %max3A_256 : vector<16xf32>
      %min3A_258 = arith.constant 3.000000e+01 : f32
      %min3A_259 = vector.broadcast %min3A_258 : f32 to vector<16xf32>
      %min3A_260 = arith.minimumf %max3A_257, %min3A_259 : vector<16xf32>
      %add3A_261 = arith.addf %scan3A_191, %min3A_260 : vector<16xf32>
      %scan3A_262 = arith.constant 1 : i32
      %scan3A_263 = arith.addi %scan3A_190, %scan3A_262 : i32
      %add3A_264 = arith.addi %mul3A_27, %scan3A_263 : i32
      %lt3A_265 = arith.constant 16 : i32
      %lt3A_266 = arith.cmpi slt, %add3A_264, %lt3A_265 : i32
      %lt3A_267 = arith.constant 32 : i32
      %lt3A_268 = arith.cmpi slt, %add3A_264, %lt3A_267 : i32
      %lt3A_269 = arith.constant 48 : i32
      %lt3A_270 = arith.cmpi slt, %add3A_264, %lt3A_269 : i32
      %select_n3A_271 = arith.select %lt3A_270, %get3A_23, %get3A_25 : vector<16xi32>
      %select_n3A_272 = arith.select %lt3A_268, %get3A_21, %select_n3A_271 : vector<16xi32>
      %select_n3A_273 = arith.select %lt3A_266, %get3A_19, %select_n3A_272 : vector<16xi32>
      %lt3A_274 = arith.constant 16 : i32
      %lt3A_275 = arith.cmpi slt, %add3A_264, %lt3A_274 : i32
      %lt3A_276 = arith.constant 32 : i32
      %lt3A_277 = arith.cmpi slt, %add3A_264, %lt3A_276 : i32
      %lt3A_278 = arith.constant 48 : i32
      %lt3A_279 = arith.cmpi slt, %add3A_264, %lt3A_278 : i32
      %jit3A_280 = arith.constant 32 : i32
      %jit3A_281 = arith.constant 34 : i32
      %select_n3A_282 = arith.select %lt3A_279, %jit3A_280, %jit3A_281 : i32
      %jit3A_283 = arith.constant 16 : i32
      %select_n3A_284 = arith.select %lt3A_277, %jit3A_283, %select_n3A_282 : i32
      %jit3A_285 = arith.constant 0 : i32
      %select_n3A_286 = arith.select %lt3A_275, %jit3A_285, %select_n3A_284 : i32
      %sub3A_287 = arith.subi %add3A_264, %select_n3A_286 : i32
      %eq3A_288 = vector.broadcast %sub3A_287 : i32 to vector<16xi32>
      %eq3A_289 = arith.cmpi eq, %iota3A, %eq3A_288 : vector<16xi32>
      %jit3A_290 = arith.constant 0 : i32
      %broadcast_in_dim3A_291 = vector.broadcast %jit3A_290 : i32 to vector<16xi32>
      %select_n3A_292 = arith.select %eq3A_289, %select_n3A_273, %broadcast_in_dim3A_291 : vector<16xi1>, vector<16xi32>
      %reduce_sum3A_293 = arith.constant true
      %reduce_sum3A_294 = vector.broadcast %reduce_sum3A_293 : i1 to vector<16xi1>
      %reduce_sum3A_295 = tpu.scan <sum>, %select_n3A_292 masked %reduce_sum3A_294 : vector<16xi32>, vector<16xi1> -> vector<16xi32>
      %reduce_sum3A_296 = vector.extract %reduce_sum3A_295[15] : i32 from vector<16xi32>
      %jit3A_297 = arith.constant 128 : i32
      %div3A_298 = arith.divsi %reduce_sum3A_296, %jit3A_297 : i32
      %sign3A_299 = arith.constant 0 : i32
      %sign3A_300 = arith.cmpi sgt, %reduce_sum3A_296, %sign3A_299 : i32
      %sign3A_301 = arith.extui %sign3A_300 : i1 to i32
      %sign3A_302 = arith.constant 0 : i32
      %sign3A_303 = arith.cmpi slt, %reduce_sum3A_296, %sign3A_302 : i32
      %sign3A_304 = arith.extui %sign3A_303 : i1 to i32
      %sign3A_305 = arith.subi %sign3A_301, %sign3A_304 : i32
      %sign3A_306 = arith.constant 0 : i32
      %sign3A_307 = arith.cmpi sgt, %jit3A_297, %sign3A_306 : i32
      %sign3A_308 = arith.extui %sign3A_307 : i1 to i32
      %sign3A_309 = arith.constant 0 : i32
      %sign3A_310 = arith.cmpi slt, %jit3A_297, %sign3A_309 : i32
      %sign3A_311 = arith.extui %sign3A_310 : i1 to i32
      %sign3A_312 = arith.subi %sign3A_308, %sign3A_311 : i32
      %ne3A_313 = arith.cmpi ne, %sign3A_305, %sign3A_312 : i32
      %rem3A_314 = arith.remsi %reduce_sum3A_296, %jit3A_297 : i32
      %ne3A_315 = arith.constant 0 : i32
      %ne3A_316 = arith.cmpi ne, %rem3A_314, %ne3A_315 : i32
      %and3A_317 = arith.andi %ne3A_313, %ne3A_316 : i1
      %sub3A_318 = arith.constant 1 : i32
      %sub3A_319 = arith.subi %div3A_298, %sub3A_318 : i32
      %select_n3A_320 = arith.select %and3A_317, %sub3A_319, %div3A_298 : i32
      %mul3A_321 = arith.constant 128 : i32
      %mul3A_322 = arith.muli %select_n3A_320, %mul3A_321 : i32
      %sub3A_323 = arith.subi %reduce_sum3A_296, %mul3A_322 : i32
      %broadcast_in_dim3A_324 = vector.broadcast %scan3A_263 : i32 to vector<16xi32>
      %broadcast_in_dim3A_325 = vector.broadcast %sub3A_323 : i32 to vector<16xi32>
      %gather3A_326 = tpu.vector_load_idx %arg6[%broadcast_in_dim3A_324, %iota3A, %broadcast_in_dim3A_325] : memref<25x16x128xf32, #tpu.memory_space<vmem>>[vector<16xi32>, vector<16xi32>, vector<16xi32>], vector<16xf32>,
      %max3A_327 = arith.constant -3.000000e+01 : f32
      %max3A_328 = vector.broadcast %max3A_327 : f32 to vector<16xf32>
      %max3A_329 = arith.maximumf %gather3A_326, %max3A_328 : vector<16xf32>
      %min3A_330 = arith.constant 3.000000e+01 : f32
      %min3A_331 = vector.broadcast %min3A_330 : f32 to vector<16xf32>
      %min3A_332 = arith.minimumf %max3A_329, %min3A_331 : vector<16xf32>
      %add3A_333 = arith.addf %add3A_261, %min3A_332 : vector<16xf32>
      scf.yield %add3A_333 : vector<16xf32>
    }
    %scan3A_119 = arith.constant 24 : i32
    %scan3A_120 = arith.addi %scan3A_114, %scan3A_119 : i32
    %add3A_121 = arith.addi %mul3A_27, %scan3A_120 : i32
    %lt3A_122 = arith.constant 16 : i32
    %lt3A_123 = arith.cmpi slt, %add3A_121, %lt3A_122 : i32
    %lt3A_124 = arith.constant 32 : i32
    %lt3A_125 = arith.cmpi slt, %add3A_121, %lt3A_124 : i32
    %lt3A_126 = arith.constant 48 : i32
    %lt3A_127 = arith.cmpi slt, %add3A_121, %lt3A_126 : i32
    %select_n3A_128 = arith.select %lt3A_127, %get3A_23, %get3A_25 : vector<16xi32>
    %select_n3A_129 = arith.select %lt3A_125, %get3A_21, %select_n3A_128 : vector<16xi32>
    %select_n3A_130 = arith.select %lt3A_123, %get3A_19, %select_n3A_129 : vector<16xi32>
    %lt3A_131 = arith.constant 16 : i32
    %lt3A_132 = arith.cmpi slt, %add3A_121, %lt3A_131 : i32
    %lt3A_133 = arith.constant 32 : i32
    %lt3A_134 = arith.cmpi slt, %add3A_121, %lt3A_133 : i32
    %lt3A_135 = arith.constant 48 : i32
    %lt3A_136 = arith.cmpi slt, %add3A_121, %lt3A_135 : i32
    %jit3A_137 = arith.constant 32 : i32
    %jit3A_138 = arith.constant 34 : i32
    %select_n3A_139 = arith.select %lt3A_136, %jit3A_137, %jit3A_138 : i32
    %jit3A_140 = arith.constant 16 : i32
    %select_n3A_141 = arith.select %lt3A_134, %jit3A_140, %select_n3A_139 : i32
    %jit3A_142 = arith.constant 0 : i32
    %select_n3A_143 = arith.select %lt3A_132, %jit3A_142, %select_n3A_141 : i32
    %sub3A_144 = arith.subi %add3A_121, %select_n3A_143 : i32
    %eq3A_145 = vector.broadcast %sub3A_144 : i32 to vector<16xi32>
    %eq3A_146 = arith.cmpi eq, %iota3A, %eq3A_145 : vector<16xi32>
    %jit3A_147 = arith.constant 0 : i32
    %broadcast_in_dim3A_148 = vector.broadcast %jit3A_147 : i32 to vector<16xi32>
    %select_n3A_149 = arith.select %eq3A_146, %select_n3A_130, %broadcast_in_dim3A_148 : vector<16xi1>, vector<16xi32>
    %reduce_sum3A_150 = arith.constant true
    %reduce_sum3A_151 = vector.broadcast %reduce_sum3A_150 : i1 to vector<16xi1>
    %reduce_sum3A_152 = tpu.scan <sum>, %select_n3A_149 masked %reduce_sum3A_151 : vector<16xi32>, vector<16xi1> -> vector<16xi32>
    %reduce_sum3A_153 = vector.extract %reduce_sum3A_152[15] : i32 from vector<16xi32>
    %jit3A_154 = arith.constant 128 : i32
    %div3A_155 = arith.divsi %reduce_sum3A_153, %jit3A_154 : i32
    %sign3A_156 = arith.constant 0 : i32
    %sign3A_157 = arith.cmpi sgt, %reduce_sum3A_153, %sign3A_156 : i32
    %sign3A_158 = arith.extui %sign3A_157 : i1 to i32
    %sign3A_159 = arith.constant 0 : i32
    %sign3A_160 = arith.cmpi slt, %reduce_sum3A_153, %sign3A_159 : i32
    %sign3A_161 = arith.extui %sign3A_160 : i1 to i32
    %sign3A_162 = arith.subi %sign3A_158, %sign3A_161 : i32
    %sign3A_163 = arith.constant 0 : i32
    %sign3A_164 = arith.cmpi sgt, %jit3A_154, %sign3A_163 : i32
    %sign3A_165 = arith.extui %sign3A_164 : i1 to i32
    %sign3A_166 = arith.constant 0 : i32
    %sign3A_167 = arith.cmpi slt, %jit3A_154, %sign3A_166 : i32
    %sign3A_168 = arith.extui %sign3A_167 : i1 to i32
    %sign3A_169 = arith.subi %sign3A_165, %sign3A_168 : i32
    %ne3A_170 = arith.cmpi ne, %sign3A_162, %sign3A_169 : i32
    %rem3A_171 = arith.remsi %reduce_sum3A_153, %jit3A_154 : i32
    %ne3A_172 = arith.constant 0 : i32
    %ne3A_173 = arith.cmpi ne, %rem3A_171, %ne3A_172 : i32
    %and3A_174 = arith.andi %ne3A_170, %ne3A_173 : i1
    %sub3A_175 = arith.constant 1 : i32
    %sub3A_176 = arith.subi %div3A_155, %sub3A_175 : i32
    %select_n3A_177 = arith.select %and3A_174, %sub3A_176, %div3A_155 : i32
    %mul3A_178 = arith.constant 128 : i32
    %mul3A_179 = arith.muli %select_n3A_177, %mul3A_178 : i32
    %sub3A_180 = arith.subi %reduce_sum3A_153, %mul3A_179 : i32
    %broadcast_in_dim3A_181 = vector.broadcast %scan3A_120 : i32 to vector<16xi32>
    %broadcast_in_dim3A_182 = vector.broadcast %sub3A_180 : i32 to vector<16xi32>
    %gather3A = tpu.vector_load_idx %arg6[%broadcast_in_dim3A_181, %iota3A, %broadcast_in_dim3A_182] : memref<25x16x128xf32, #tpu.memory_space<vmem>>[vector<16xi32>, vector<16xi32>, vector<16xi32>], vector<16xf32>,
    %max3A = arith.constant -3.000000e+01 : f32
    %max3A_183 = vector.broadcast %max3A : f32 to vector<16xf32>
    %max3A_184 = arith.maximumf %gather3A, %max3A_183 : vector<16xf32>
    %min3A = arith.constant 3.000000e+01 : f32
    %min3A_185 = vector.broadcast %min3A : f32 to vector<16xf32>
    %min3A_186 = arith.minimumf %max3A_184, %min3A_185 : vector<16xf32>
    %add3A_187 = arith.addf %scan3A_118, %min3A_186 : vector<16xf32>
    %scan3A_188 = arith.constant 25 : i32
    %swap3A = arith.constant 0 : index
    %swap3A_189 = tpu.vector_load %arg7[%swap3A] {strides = array<i32>} : memref<16xf32, #tpu.memory_space<vmem>>, vector<16xf32>,
    tpu.vector_store %arg7[%swap3A], %add3A_187 {strides = array<i32>} : memref<16xf32, #tpu.memory_space<vmem>>, vector<16xf32>,
    "tpu.region"() ({
      %run_scoped3A = tpu.sem_alloc : memref<!tpu.dma_semaphore, #tpu.memory_space<semaphore_mem>>
      %dma_start3A_190 = arith.constant 0 : i32
      %dma_start3A_191 = tpu.memref_slice %arg4[%select_n3A, %add3A, %dma_start3A_190] : memref<2x16x16xf32, #tpu.memory_space<hbm>> -> memref<1x1x16xf32, #tpu.memory_space<hbm>>
      %dma_start3A_192 = tpu.memref_squeeze %dma_start3A_191 : memref<1x1x16xf32, #tpu.memory_space<hbm>> -> memref<16xf32, #tpu.memory_space<hbm>>
      %dma_start3A_193 = arith.constant 0 : i32
      %dma_start3A_194 = tpu.memref_slice %arg4[%select_n3A, %add3A, %dma_start3A_193] : memref<2x16x16xf32, #tpu.memory_space<hbm>> -> memref<1x1x16xf32, #tpu.memory_space<hbm>>
      %dma_start3A_195 = tpu.memref_squeeze %dma_start3A_194 : memref<1x1x16xf32, #tpu.memory_space<hbm>> -> memref<16xf32, #tpu.memory_space<hbm>>
      tpu.enqueue_dma source(%arg7 : memref<16xf32, #tpu.memory_space<vmem>>) target(%dma_start3A_195 : memref<16xf32, #tpu.memory_space<hbm>>) target_semaphore(%run_scoped3A : memref<!tpu.dma_semaphore, #tpu.memory_space<semaphore_mem>>)
      %dma_wait3A_196 = arith.constant 0 : i32
      %dma_wait3A_197 = tpu.memref_slice %arg4[%select_n3A, %add3A, %dma_wait3A_196] : memref<2x16x16xf32, #tpu.memory_space<hbm>> -> memref<1x1x16xf32, #tpu.memory_space<hbm>>
      %dma_wait3A_198 = tpu.memref_squeeze %dma_wait3A_197 : memref<1x1x16xf32, #tpu.memory_space<hbm>> -> memref<16xf32, #tpu.memory_space<hbm>>
      %dma_wait3A_199 = arith.constant 0 : i32
      %dma_wait3A_200 = tpu.memref_slice %arg4[%select_n3A, %add3A, %dma_wait3A_199] : memref<2x16x16xf32, #tpu.memory_space<hbm>> -> memref<1x1x16xf32, #tpu.memory_space<hbm>>
      %dma_wait3A_201 = tpu.memref_squeeze %dma_wait3A_200 : memref<1x1x16xf32, #tpu.memory_space<hbm>> -> memref<16xf32, #tpu.memory_space<hbm>>
      tpu.wait_dma2 semaphore(%run_scoped3A : memref<!tpu.dma_semaphore, #tpu.memory_space<semaphore_mem>>) src(%arg7 : memref<16xf32, #tpu.memory_space<vmem>>) dst(%dma_wait3A_201 : memref<16xf32, #tpu.memory_space<hbm>>)
      tpu.yield
    }) : () -> ()
    return
  }
}

module attributes {stable_mosaic.version = 14 : i64} {
  func.func @_combine_body(%arg0: memref<2x16x16xf32, #tpu.memory_space<vmem>>, %arg1: memref<1x1xf32, #tpu.memory_space<vmem>>, %arg2: memref<1x1xf32, #tpu.memory_space<vmem>>) attributes {dimension_semantics = [], scalar_prefetch = 0 : i64, scratch_operands = 0 : i64, tpu.core_type = #tpu.core_type<tc>} {
    %get3A = arith.constant 0 : index
    %get3A_0 = arith.constant 0 : index
    %get3A_1 = arith.constant 0 : index
    %get3A_2 = vector.load %arg0[%get3A, %get3A_0, %get3A_1] : memref<2x16x16xf32, #tpu.memory_space<vmem>>, vector<1x16x16xf32>
    %get3A_3 = vector.shape_cast %get3A_2 : vector<1x16x16xf32> to vector<16x16xf32>
    %get3A_4 = arith.constant 1 : index
    %get3A_5 = arith.constant 0 : index
    %get3A_6 = arith.constant 0 : index
    %get3A_7 = vector.load %arg0[%get3A_4, %get3A_5, %get3A_6] : memref<2x16x16xf32, #tpu.memory_space<vmem>>, vector<1x16x16xf32>
    %get3A_8 = vector.shape_cast %get3A_7 : vector<1x16x16xf32> to vector<16x16xf32>
    %add3A = arith.addf %get3A_3, %get3A_8 : vector<16x16xf32>
    %reduce_max3A = arith.constant dense<0xFF800000> : vector<16xf32>
    %reduce_max3A_9 = vector.multi_reduction <maximumf>, %add3A, %reduce_max3A [1] : vector<16x16xf32> to vector<16xf32>
    %broadcast_in_dim3A = vector.shape_cast %reduce_max3A_9 : vector<16xf32> to vector<16x1xf32>
    %sub3A = vector.broadcast %broadcast_in_dim3A : vector<16x1xf32> to vector<16x16xf32>
    %sub3A_10 = arith.subf %add3A, %sub3A : vector<16x16xf32>
    %exp3A = math.exp %sub3A_10 : vector<16x16xf32>
    %reduce_sum3A = arith.constant dense<0.000000e+00> : vector<16xf32>
    %reduce_sum3A_11 = vector.multi_reduction <add>, %exp3A, %reduce_sum3A [1] : vector<16x16xf32> to vector<16xf32>
    %broadcast_in_dim3A_12 = vector.shape_cast %reduce_sum3A_11 : vector<16xf32> to vector<16x1xf32>
    %log3A = math.log %broadcast_in_dim3A_12 : vector<16x1xf32>
    %add3A_13 = arith.addf %log3A, %broadcast_in_dim3A : vector<16x1xf32>
    %iota3A = tpu.iota {dimensions = array<i32: 0>} : vector<16x16xi32>
    %iota3A_14 = tpu.iota {dimensions = array<i32: 1>} : vector<16x16xi32>
    %eq3A = arith.cmpi eq, %iota3A, %iota3A_14 : vector<16x16xi32>
    %jit3A = arith.constant 0.000000e+00 : f32
    %broadcast_in_dim3A_15 = vector.broadcast %jit3A : f32 to vector<16x16xf32>
    %select_n3A = arith.select %eq3A, %add3A, %broadcast_in_dim3A_15 : vector<16x16xi1>, vector<16x16xf32>
    %reduce_sum3A_16 = arith.constant dense<0.000000e+00> : vector<16xf32>
    %reduce_sum3A_17 = vector.multi_reduction <add>, %select_n3A, %reduce_sum3A_16 [1] : vector<16x16xf32> to vector<16xf32>
    %broadcast_in_dim3A_18 = vector.shape_cast %reduce_sum3A_17 : vector<16xf32> to vector<16x1xf32>
    %sub3A_19 = arith.subf %broadcast_in_dim3A_18, %add3A_13 : vector<16x1xf32>
    %reduce_sum3A_20 = vector.shape_cast %sub3A_19 : vector<16x1xf32> to vector<1x16x1xf32>
    %reduce_sum3A_21 = arith.constant dense<0.000000e+00> : vector<1xf32>
    %reduce_sum3A_22 = vector.multi_reduction <add>, %reduce_sum3A_20, %reduce_sum3A_21 [1, 2] : vector<1x16x1xf32> to vector<1xf32>
    %reduce_sum3A_23 = vector.shape_cast %reduce_sum3A_22 : vector<1xf32> to vector<1x1x1xf32>
    %reduce_sum3A_24 = vector.extract %reduce_sum3A_23[0, 0, 0] : f32 from vector<1x1x1xf32>
    %neg3A = arith.constant 0.000000e+00 : f32
    %neg3A_25 = arith.subf %neg3A, %reduce_sum3A_24 : f32
    %div3A = arith.constant 8.000000e+02 : f32
    %div3A_26 = arith.divf %neg3A_25, %div3A : f32
    %broadcast_in_dim3A_27 = vector.broadcast %div3A_26 : f32 to vector<1x1xf32>
    %swap3A = arith.constant 0 : index
    %swap3A_28 = arith.constant 0 : index
    %swap3A_29 = vector.load %arg1[%swap3A, %swap3A_28] : memref<1x1xf32, #tpu.memory_space<vmem>>, vector<1x1xf32>
    tpu.vector_store %arg1[%swap3A, %swap3A_28], %broadcast_in_dim3A_27 {strides = array<i32>} : memref<1x1xf32, #tpu.memory_space<vmem>>, vector<1x1xf32>,
    %exp3A_30 = math.exp %sub3A_19 : vector<16x1xf32>
    %reduce_sum3A_31 = vector.shape_cast %exp3A_30 : vector<16x1xf32> to vector<1x16x1xf32>
    %reduce_sum3A_32 = arith.constant dense<0.000000e+00> : vector<1xf32>
    %reduce_sum3A_33 = vector.multi_reduction <add>, %reduce_sum3A_31, %reduce_sum3A_32 [1, 2] : vector<1x16x1xf32> to vector<1xf32>
    %reduce_sum3A_34 = vector.shape_cast %reduce_sum3A_33 : vector<1xf32> to vector<1x1x1xf32>
    %reduce_sum3A_35 = vector.extract %reduce_sum3A_34[0, 0, 0] : f32 from vector<1x1x1xf32>
    %mul3A = arith.constant 5.000000e+01 : f32
    %mul3A_36 = arith.mulf %reduce_sum3A_35, %mul3A : f32
    %broadcast_in_dim3A_37 = vector.broadcast %mul3A_36 : f32 to vector<1x1xf32>
    %swap3A_38 = arith.constant 0 : index
    %swap3A_39 = arith.constant 0 : index
    %swap3A_40 = vector.load %arg2[%swap3A_38, %swap3A_39] : memref<1x1xf32, #tpu.memory_space<vmem>>, vector<1x1xf32>
    tpu.vector_store %arg2[%swap3A_38, %swap3A_39], %broadcast_in_dim3A_37 {strides = array<i32>} : memref<1x1xf32, #tpu.memory_space<vmem>>, vector<1x1xf32>,
    return
  }
}

</mosaic_0001>

<sc_bundles>
// kernel: kernel.4.cloned.1.call-start
scs
__scs_entry_jumppad:
0x0: {  	(pc) =	sbr.rel $0x88, $3  }
0x1: {  	(tag) =	ssettag $0x0;
	lr =	simm.s32 $0x1  }
0x2: {  	[smem:$0x3F9F] =	sst lr;
	_ =	strace $0xD0000000  }
0x3: {  	_ = 	snop  }
0x4: {  	_ = 	snop  }
0x5: {  	_ = 	snop  }
0x6: {  	_ = 	snop  }
0x7: {  	_ = 	snop  }
__scs_overlays_trampoline_lowered:
0x8: {  	[smem:$0x3FAE] =	sst s0  }
0x9: {  	[smem:$0x3FAF] =	sst s1  }
0xa: {  	[smem:$0x3FB0] =	sst s2  }
0xb: {  	[smem:$0x3FB1] =	sst s3  }
0xc: {  	[smem:$0x3FB2] =	sst s4  }
0xd: {  	[smem:$0x3FB3] =	sst s5  }
0xe: {  	[smem:$0x3FB4] =	sst s6  }
0xf: {  	[smem:$0x3FB5] =	sst s7  }
0x10: {  	[smem:$0x3FB6] =	sst s8  }
0x11: {  	[smem:$0x3FB7] =	sst s9;
	s0 =	simm.s32 @!p0 $0x0  }
0x12: {  	s1 =	sld [smem:$0x3F9D];
	s0 =	simm.s32 @p0 $0x1  }
0x13: {  	[smem:$0x3FB8] =	sst s0;
	s0 =	simm.s32 @!p1 $0x0  }
0x14: {  	s2 =	sld [smem:$0x3F9C];
	s0 =	simm.s32 @p1 $0x1  }
0x15: {  	[smem:$0x3FB9] =	sst s0;
	s0 =	simm.s32 @!p2 $0x0  }
0x16: {  	s3 =	sld [smem:$0x3FDB];
	s0 =	simm.s32 @p2 $0x1  }
0x17: {  	s4 =	simm.s32 $0x1BF5;
	[smem:$0x3FBB] =	sst s0  }
0x18: {  	s0 =	sld [smem:$0x3F9E];
	_ =	swait.ge [sflag:s4], $0x0  }
0x19: {  	s7 =	sld [smem:$0x3F9F]  }
0x1a: {  	s8 =	sadd.s32 $0xFFFFE003, lr  }
0x1b: {  	s9 =	sadd.s32 $0xFFFFFEF7, lr;
	s5 =	simm.s32 $0xFFFFFFFF;
	p2 =	slt.u32 s8, $0xFFFFF086  }
0x1c: {  	p1 =	slt.u32 s9, $0xF7A;
	s5 =	simm.s32 @!p2 $0x0  }
0x1d: {  	s5 =	simm.s32 @p1 $0x1;
	p0 =	seq.s32 s7, s2  }
0x1e: {  	s7 =	smul.u32 @!p0 $0xF7A, s2;
	p2 =	seq.s32 @!p0 s5, $0x0  }
0x1f: {  	s9 =	smul.u32 $0xF7A, s1;
	s8 =	simm.s32 @!p0 $0x1BF5;
	p2 =	por !p2, p0  }
0x20: {  	[sflag:s8] =	ssyncset.s32 @!p0 $0xFFFFF086;
	s6 =	sadd.s32 @!p0 s3, s7;
	s7 =	simm.s32 @!p0 $0x108  }
0x21: {  	s3 =	sadd.s32 s3, s9;
	s6 =	sadd.s32 @!p0 $0x88, s6;
	s7 =	simm.s32 @p2 $0x1082  }
0x22: {  	[simem:s7], [sflag:s8] =	dma.local @!p0 [hbm:s6], $0xF7A  }
0x23: {  	s9 =	sor.u32 $0xD0000000, s2;
	s6 =	simm.s32 $0x108;
	_ =	swait.ge @!p0 [sflag:s8], $0x0  }
0x24: {  	s3 =	sadd.s32 $0x88, s3;
	s6 =	simm.s32 @!p1 $0x1082;
	[sflag:s4] =	ssyncset.s32 $0xFFFFF086  }
0x25: {  	[simem:s6], [sflag:s4] =	dma.local [hbm:s3], $0xF7A  }
0x26: {  	[smem:$0x3F9F] =	sst s1;
	(tag) =	ssettag s2;
	_ =	strace s9  }
0x27: {  	s1 =	sld [smem:$0x3FAF]  }
0x28: {  	s2 =	sld [smem:$0x3FB0]  }
0x29: {  	s4 =	sld [smem:$0x3FB2]  }
0x2a: {  	p0 =	seq.s32 s5, $0x0;
	s5 =	sld [smem:$0x3FB3]  }
0x2b: {  	s6 =	sld [smem:$0x3FB4]  }
0x2c: {  	s7 =	sld [smem:$0x3FB5]  }
0x2d: {  	s3 =	simm.s32 $0x108;
	s8 =	sld [smem:$0x3FB6]  }
0x2e: {  	s3 =	simm.s32 @!p0 $0x1082;
	s9 =	sld [smem:$0x3FB7]  }
0x2f: {  	lr =	sadd.s32 s0, s3;
	s0 =	sld [smem:$0x3FAE]  }
0x30: {  	s3 =	sld [smem:$0x3FB1]  }
0x31: {  	[smem:$0x3FBA] =	sst s10  }
0x32: {  	s10 =	sld [smem:$0x3FB8];
	_ =	sdelay $0x3  }
0x33: {  	p0 =	seq.s32 s10, $0x1;
	s10 =	sld [smem:$0x3FBA];
	_ =	sdelay $0x3  }
0x34: {  	[smem:$0x3FBA] =	sst s10  }
0x35: {  	s10 =	sld [smem:$0x3FB9];
	_ =	sdelay $0x3  }
0x36: {  	p1 =	seq.s32 s10, $0x1;
	s10 =	sld [smem:$0x3FBA];
	_ =	sdelay $0x3  }
0x37: {  	[smem:$0x3FBA] =	sst s10  }
0x38: {  	s10 =	sld [smem:$0x3FBB]  }
0x39: {  	_ = 	snop;
	(pc) =	sbr.ind lr, $3  }
0x3a: {  	_ = 	snop  }
0x3b: {  	_ = 	snop  }
0x3c: {  	p2 =	seq.s32 s10, $0x1;
	s10 =	sld [smem:$0x3FBA]  }
0x3d: {  	_ =	shalt  }
0x3e: {  	_ =	shalt  }
0x3f: {  	_ =	shalt  }
0x40: {  	_ =	shalt  }
0x41: {  	_ =	shalt  }
0x42: {  	_ =	shalt  }
0x43: {  	_ =	shalt  }
0x44: {  	_ =	shalt  }
0x45: {  	_ =	shalt  }
0x46: {  	_ =	shalt  }
0x47: {  	_ =	shalt  }
0x48: {  	_ =	shalt  }
0x49: {  	_ =	shalt  }
0x4a: {  	_ =	shalt  }
0x4b: {  	_ =	shalt  }
0x4c: {  	_ =	shalt  }
0x4d: {  	_ =	shalt  }
0x4e: {  	_ =	shalt  }
0x4f: {  	_ =	shalt  }
0x50: {  	_ =	shalt  }
0x51: {  	_ =	shalt  }
0x52: {  	_ =	shalt  }
0x53: {  	_ =	shalt  }
0x54: {  	_ =	shalt  }
0x55: {  	_ =	shalt  }
0x56: {  	_ =	shalt  }
0x57: {  	_ =	shalt  }
0x58: {  	_ =	shalt  }
0x59: {  	_ =	shalt  }
0x5a: {  	_ =	shalt  }
0x5b: {  	_ =	shalt  }
0x5c: {  	_ =	shalt  }
0x5d: {  	_ =	shalt  }
0x5e: {  	_ =	shalt  }
0x5f: {  	_ =	shalt  }
0x60: {  	_ =	shalt  }
0x61: {  	_ =	shalt  }
0x62: {  	_ =	shalt  }
0x63: {  	_ =	shalt  }
0x64: {  	_ =	shalt  }
0x65: {  	_ =	shalt  }
0x66: {  	_ =	shalt  }
0x67: {  	_ =	shalt  }
0x68: {  	_ =	shalt  }
0x69: {  	_ =	shalt  }
0x6a: {  	_ =	shalt  }
0x6b: {  	_ =	shalt  }
0x6c: {  	_ =	shalt  }
0x6d: {  	_ =	shalt  }
0x6e: {  	_ =	shalt  }
0x6f: {  	_ =	shalt  }
0x70: {  	_ =	shalt  }
0x71: {  	_ =	shalt  }
0x72: {  	_ =	shalt  }
0x73: {  	_ =	shalt  }
0x74: {  	_ =	shalt  }
0x75: {  	_ =	shalt  }
0x76: {  	_ =	shalt  }
0x77: {  	_ =	shalt  }
0x78: {  	_ =	shalt  }
0x79: {  	_ =	shalt  }
0x7a: {  	_ =	shalt  }
0x7b: {  	_ =	shalt  }
0x7c: {  	_ =	shalt  }
0x7d: {  	_ =	shalt  }
0x7e: {  	_ =	shalt  }
0x7f: {  	_ =	shalt  }
0x80: {  	_ =	shalt  }
0x81: {  	_ =	shalt  }
0x82: {  	_ =	shalt  }
0x83: {  	_ =	shalt  }
0x84: {  	_ =	shalt  }
0x85: {  	_ =	shalt  }
0x86: {  	_ =	shalt  }
0x87: {  	_ =	shalt  }
.Lfunc_end0:
.L_simem_size_0:
called_computation_lowered:
.L_overlay_start_0:
0x88: {  	s2 =	sld [smem:$0x3FD9]  }
0x89: {  	s3 =	sld [smem:$0x3FFE];
	_ =	sdelay $0x1  }
0x8a: {  	s1 =	srdreg.scid  }
0x8b: {  	s0 =	sand.u32 $0x1, s1  }
0x8c: {  	s17 =	sshll.u32 s0, $0xA;
	s2 =	sadd.s32 s3, s2  }
0x8d: {  	s2 =	sadd.s32 s2, s17  }
0x8e: {  	[smem:$0x3FC6] =	sst s2  }
0x8f: {  	_ = 	snop  }
0x90: {  	s2 =	sld [smem:$0x3FC9]  }
0x91: {  	s18 =	sld [smem:$0x3FC8];
	(tm) =	ssettm $0x1  }
0x92: {  	s4 =	sld [smem:$0x3FFB];
	_ =	sdelay $0x3  }
0x93: {  	_ =	strace s4  }
0x94: {  	s4 =	sld [smem:$0x3FFC];
	_ =	sdelay $0x3  }
0x95: {  	_ =	strace s4  }
0x96: {  	s4 =	sld [smem:$0x3FFD];
	_ =	sdelay $0x3  }
0x97: {  	_ =	strace s4  }
0x98: {  	_ =	strace $0x8FFFFFFF  }
0x99: {  	s19 =	sld [smem:$0x3FDB];
	_ =	sdelay $0x1  }
0x9a: {  	s5 =	simm.s32 $_scs_section_size  }
0x9b: {  	s6 =	simm.s32 $_size__tile_overlayer_lowered;
	s7 =	simm.s32 $_tile_overlayer_lowered  }
0x9c: {  	s22 =	simm.s32 $0x1BFF;
	s21 =	sshll.u32 s7, $0x1;
	s4 =	sadd.s32 s5, s19  }
0x9d: {  	s8 =	simm.s32 $0x0;
	s20 =	sshll.u32 s6, $0x1;
	s6 =	sadd.s32 s21, s4  }
0x9e: {  	[timem:s8], [sflag:s22] =	dma.local [hbm:s6], s20  }
0x9f: {  	_ =	swait.ge [sflag:s22], s20  }
0xa0: {  	s5 =	ssub.s32 $0x0, s20;
	[sflag:s22] =	ssyncset.done $0x0  }
0xa1: {  	[sflag:s22] =	ssyncadd.s32 s5;
	_ =	sdelay $0x1  }
0xa2: {  	s23 =	simm.s32 $0x1B8B  }
0xa3: {  	_ =	swait.ge [sflag:s23], $0x1  }
0xa4: {  	[sflag:s23] =	ssyncset.done $0x0  }
0xa5: {  	s25 =	simm.s32 $0x1B8E;
	s24 =	sld [smem:$0x3FFE];
	[sflag:s23] =	ssyncadd.s32 $0xFFFFFFFF  }
0xa6: {  	s26 =	simm.s32 $execute0_lowered;
	[smem:$0x3FD2] =	sst s25  }
0xa7: {  	s6 =	sshll.u32 s26, $0x1;
	_ =	strace $0x80000046;
	[dreg:$0x1] =	wrdreg $0xFFFFFFFF  }
0xa8: {  	s28 =	simm.s32 $_size_execute0_lowered;
	s4 =	sadd.s32 s4, s6;
	[dreg:$0x0] =	wrdreg $0x0  }
0xa9: {  	s6 =	sshll.u32 s28, $0x1;
	[dreg:$0x2] =	wrdreg s4  }
0xaa: {  	[dreg:$0x3] =	wrdreg s6  }
0xab: {  	[dreg:$0x4] =	wrdreg $0xC0  }
0xac: {  	_ =	task [dreg:s8], $0x5FFFF  }
0xad: {  	[dreg:$0x1] =	wrdreg $0xFFFFFFFF  }
0xae: {  	[dreg:$0x0] =	wrdreg $0x60  }
0xaf: {  	[dreg:$0x2] =	wrdreg s2  }
0xb0: {  	[dreg:$0x3] =	wrdreg s18  }
0xb1: {  	[dreg:$0x4] =	wrdreg s24  }
0xb2: {  	[dreg:$0x5] =	wrdreg $0x9  }
0xb3: {  	_ =	task.clear_ibuf [dreg:s8], $0x6FFFF;
	_ =	strace $0x90000046  }
0xb4: {  	s29 =	simm.s32 $0x9;
	_ =	strace $0x80000048  }
0xb5: {  	_ =	swait.ge [sflag:s29], $0x1  }
0xb6: {  	[sflag:s29] =	ssyncadd.s32 $0xFFFFFFFF  }
0xb7: {  	_ =	strace $0x90000048  }
0xb8: {  	_ =	sfence  }
0xb9: {  	s30 =	sld [smem:$0x0];
	_ =	sdelay $0x2  }
0xba: {  	s31 =	sshll.u32 s1, $0xD;
	s1 =	sshrl.u32 s1, $0x2  }
0xbb: {  	s3 =	sand.u32 $0x4000, s31;
	s1 =	sadd.s32 s1, s30  }
0xbc: {  	s0 =	sor.u32 s3, s0;
	s1 =	sshll.u32 s1, $0x11  }
0xbd: {  	s0 =	sor.u32 s1, s0  }
0xbe: {  	s0 =	sadd.s32 $0x8F2B, s0  }
0xbf: {  	[sflag:s0] =	ssyncadd.remote.s32 $0x1  }
0xc0: {  	_ =	sfence.sel $0xFFFF  }
0xc1: {  	[dreg:$0x0] =	wrdreg $0xFFFFFFFF;
	(pc) =	sbr.abs _section_cstart, $3  }
0xc2: {  	[dreg:$0x1] =	wrdreg $0xFFFFFFFF  }
0xc3: {  	_ =	task.clear_ibuf [dreg:s8], $0x2FFFF;
	_ =	strace $0x9FFFFFFF  }
0xc4: {  	(tm) =	ssettm $0x7FFFFFFF  }
0xc5: {  	_ =	shalt  }
tec
execute0_lowered:
.L_overlay_start_1:
0x0: {  	(tag) =	ssettag $0x1  }
0x1: {  	s2 =	rddreg [dreg:$0x0]  }
0x2: {  	s5 =	rddreg [dreg:$0x1]  }
0x3: {  	s4 =	rddreg [dreg:$0x2];
	s3 =	srdreg.scid  }
0x4: {  	s1 =	stileid.u32;
	s14 =	simm.s32 $0xC080;
	s15 =	simm.s32 $0x80  }
0x5: {  	s16 =	simm.s32 $0xC880;
	s17 =	simm.s32 $0x0;
	s6 =	sand.u32 $0x1, s3  }
0x6: {  	s7 =	sshrl.u32 s1, $0x3;
	s9 =	sshll.u32 s1, $0x7;
	s3 =	simm.s32 $0x0  }
0x7: {  	s8 =	sshll.u32 s6, $0xA;
	s10 =	sshll.u32 s7, $0xB;
	s9 =	sand.u32 $0x380, s9  }
0x8: {  	[smem:$0x7FF] =	sst s3;
	s6 =	ssub.s32 $0x2, s6;
	p0 =	seq.s32 s7, $0x0  }
0x9: {  	s13 =	smul.u32 $0x262F000, s7;
	s10 =	sor.u32 s8, s10;
	_ =	strace $0x80000047  }
0xa: {  	s11 =	sshrl.u32 s6, $0x1;
	s30 =	sor.u32 s8, s9;
	s10 =	sor.u32 s9, s10  }
0xb: {  	s8 =	simm.s32 $0xFFFFFFF0;
	s0 =	simm.s32 @!p0 $0x0;
	s10 =	sshrl.u32 s10, $0x3  }
0xc: {  	s11 =	ssub.s32 s6, s11;
	s10 =	sadd.s32 s10, s4;
	s4 =	smul.u32 $0x19, s7  }
0xd: {  	s6 =	sshrl.u32 s30, $0x3;
	s0 =	simm.s32 @p0 $0x1;
	s8 =	simm.s32 @!p0 $0xFFFFFFDE  }
0xe: {  	v0 =	vlaneseq.u32;
	s9 =	sadd.s32 $0x187000, s13;
	s13 =	simm.s32 $0xC3800;
	s31 =	sadd.s32 $0x18, s4  }
0xf: {  	v1 =	vmul.u32 $0x80, v0;
	[smem:$0x7FD] =	sst s0;
	s5 =	sadd.s32 s5, s6;
	s12 =	sadd.s32 s31, s8  }
0x10: {  	s7 =	sadd.s32 $0x800, s10;
	s10 =	simm.s32 $0x2;
	s6 =	smul.u32 $0x187000, s31;
	v2 =	vmov s12  }
0x11: {  	s8 =	smax.u32 s11, $0x1;
	s11 =	simm.s32 $0x1;
	s12 =	simm.s32 $0x400;
	vm0 =	veq.s32 v2, v0;
	v2 =	vor.u32 $0xC000, v1  }
.LBB2_1:
0x12: {  	[tilespmem:s3], [sflag:$0x2] =	stream.linear.gather [hbm4b:s5+s3], $0x80, $0x38;
	[tilespmem:$0xC900] =	vst v63  }
0x13: {  	_ =	swait.ge [sflag:s10], $0x80  }
0x14: {  	[sflag:s10] =	ssyncset.done $0x0  }
0x15: {  	[sflag:s10] =	ssyncadd.s32 $0xFFFFFF80  }
0x16: {  	s18 =	sadd.s32 $0xFFFFFFFE, s4;
	v3 =	vld [tilespmem:$0x10]  }
0x17: {  	s19 =	sadd.s32 $0x2, s18;
	v5 =	vld [tilespmem:$0x20]  }
0x18: {  	s20 =	simm.s32 $0xFFFFFFF0;
	p1 =	slt.u32 s19, $0x20;
	v4 =	vld [tilespmem:$0x0]  }
0x19: {  	s18 =	sadd.s32 $0x3, s18;
	p0 =	slt.u32 s19, $0x10;
	s20 =	simm.s32 @!p1 $0xFFFFFFE0;
	v6 =	vld [tilespmem:$0x22]  }
0x1a: {  	p2 =	slt.u32 s18, $0x30;
	s19 =	simm.s32 $0xFFFFFFE0;
	s20 =	simm.s32 @p0 $0x0  }
0x1b: {  	p3 =	slt.u32 s18, $0x20;
	s19 =	simm.s32 @!p2 $0xFFFFFFDE;
	s20 =	sadd.s32 s20, s4  }
0x1c: {  	p4 =	slt.u32 s18, $0x10;
	s19 =	simm.s32 @p3 $0xFFFFFFF0;
	s20 =	sadd.s32 $0x0, s20  }
0x1d: {  	s19 =	simm.s32 @p4 $0x0;
	v7 =	vmov s20;
	v8 =	vpsel p1, v3, v5  }
0x1e: {  	s18 =	sadd.s32 s19, s18;
	vm1 =	veq.s32 v7, v0;
	v7 =	vpsel p0, v4, v8;
	v8 =	vpsel p2, v5, v6  }
0x1f: {  	v9 =	vmov s18;
	v7 =	vnsel vm1, $0x0, v7;
	v8 =	vpsel p3, v3, v8  }
0x20: {  	vm1 =	veq.s32 v9, v0;
	(xrf0) =	vadd.scan.msk.s32 $0xffff, v7;
	v7 =	vpsel p4, v4, v8  }
0x21: {  	v7 =	vnsel vm1, $0x0, v7  }
0x22: {  	(xrf0) =	vadd.scan.msk.s32 $0xffff, v7;
	_ =	sdelay $0x4  }
0x23: {  	v7, _, _ =	vpop (xrf0)  }
0x24: {  	(v2sf) =	vpush v7, $0xF;
	v7, _, _ =	vpop (xrf0)  }
0x25: {  	(v2sf) =	vpush v7, $0xF;
	_ =	sdelay $0x7  }
0x26: {  	s26 =	sadd.s32 $0x0, s4  }
0x27: {  	s21 =	simm.s32 $0xFFFFFFF0;
	s19 =	sadd.s32 $0x2, s26  }
0x28: {  	s28 =	sadd.s32 $0x3, s26;
	s26 =	simm.s32 $0x1;
	p6 =	slt.u32 s19, $0x10  }
0x29: {  	p2 =	slt.u32 s19, $0x20;
	s19 =	simm.s32 $0xFFFFFFE0;
	p4 =	slt.u32 s28, $0x30  }
0x2a: {  	p1 =	slt.u32 s28, $0x10;
	p0 =	slt.u32 s28, $0x20;
	s19 =	simm.s32 @!p4 $0xFFFFFFDE  }
0x2b: {  	s0 =	simm.s32 @!p1 $0x0;
	s21 =	simm.s32 @!p2 $0xFFFFFFE0;
	s19 =	simm.s32 @p0 $0xFFFFFFF0  }
0x2c: {  	s0 =	simm.s32 @p1 $0x1;
	s19 =	simm.s32 @p1 $0x0;
	s22 =	spop (v2sf)  }
0x2d: {  	s24 =	sand.u32 $0x7F, s22;
	p3 =	slt.s32 s22, $0x1;
	s29 =	spop (v2sf)  }
0x2e: {  	s30 =	sshra.s32 s22, $0x1F;
	p5 =	sne.s32 s24, $0x0;
	s25 =	sand.u32 $0x7F, s29  }
0x2f: {  	p1 =	por !p3, !p5;
	p5 =	sne.s32 s25, $0x0;
	s25 =	sshrl.u32 s30, $0x19  }
0x30: {  	s21 =	simm.s32 @p6 $0x0;
	p1 =	por !p1, !p1;
	s22 =	sadd.s32 s25, s22  }
0x31: {  	[smem:$0x7FB] =	sst s0;
	s26 =	simm.s32 @!p1 $0x0;
	s22 =	sshrl.u32 s22, $0x7  }
0x32: {  	s21 =	sadd.s32 s21, s4;
	s25 =	ssub.s32 s22, s26;
	s26 =	sld [smem:$0x7FB]  }
0x33: {  	v8 =	vpsel p2, v3, v5;
	s21 =	sadd.s32 $0x2, s21  }
0x34: {  	v8 =	vpsel p6, v4, v8;
	v9 =	vmov s21;
	s20 =	sadd.s32 s19, s28;
	v7 =	vpsel p4, v5, v6  }
0x35: {  	vm1 =	veq.s32 v9, v0;
	v9 =	vmov s20;
	v7 =	vpsel p0, v3, v7;
	p6 =	seq.s32 s26, $0x1  }
0x36: {  	v8 =	vnsel vm1, $0x0, v8;
	vm1 =	veq.s32 v9, v0;
	v7 =	vpsel p6, v4, v7  }
0x37: {  	(xrf0) =	vadd.scan.msk.s32 $0xffff, v8;
	v7 =	vnsel vm1, $0x0, v7  }
0x38: {  	s23 =	sadd.s32 $0x2, s4;
	(xrf0) =	vadd.scan.msk.s32 $0xffff, v7  }
0x39: {  	s18 =	simm.s32 $0x880;
	s19 =	sadd.s32 $0x3, s23;
	s23 =	sadd.s32 $0x2, s23  }
0x3a: {  	s28 =	simm.s32 $0x80;
	p2 =	slt.u32 s23, $0x10;
	p3 =	slt.s32 s29, $0x1  }
0x3b: {  	p4 =	slt.u32 s19, $0x30;
	p3 =	por !p3, !p5;
	p5 =	slt.u32 s19, $0x20  }
0x3c: {  	s31 =	sshra.s32 s29, $0x1F;
	p1 =	slt.u32 s19, $0x10;
	s0 =	simm.s32 @!p5 $0x0  }
0x3d: {  	p0 =	por !p3, !p3;
	s0 =	simm.s32 @p5 $0x1;
	s22 =	simm.s32 $0x1;
	v7, _, _ =	vpop (xrf0)  }
0x3e: {  	[smem:$0x7FC] =	sst s0;
	s0 =	sshrl.u32 s31, $0x19;
	s20 =	sshll.u32 s25, $0xA;
	(v2sf) =	vpush v7, $0xF;
	v7, _, _ =	vpop (xrf0)  }
0x3f: {  	s22 =	simm.s32 @!p0 $0x0;
	p0 =	slt.u32 s23, $0x20;
	s23 =	simm.s32 $0xFFFFFFE0;
	(v2sf) =	vpush v7, $0xF  }
0x40: {  	s21 =	sadd.s32 s0, s29;
	s20 =	sadd.s32 s20, s9;
	s23 =	simm.s32 @!p4 $0xFFFFFFDE  }
0x41: {  	s30 =	sld [smem:$0x7FC];
	s21 =	sshrl.u32 s21, $0x7;
	s20 =	sadd.s32 $0xFFE79000, s20  }
0x42: {  	s21 =	ssub.s32 s21, s22;
	s22 =	simm.s32 $0xFFFFFFF0;
	s20 =	sshrl.u32 s20, $0x3  }
0x43: {  	s21 =	sshll.u32 s21, $0xA;
	s22 =	simm.s32 @!p0 $0xFFFFFFE0;
	s20 =	sadd.s32 s2, s20  }
0x44: {  	p3 =	seq.s32 s30, $0x1;
	s21 =	sadd.s32 s21, s9;
	s22 =	simm.s32 @p2 $0x0  }
0x45: {  	[tilespmem:s28], [sflag:$0x1] =	stream.strided.gather [hbm4b:s20+s12], $0x800, s13, s12, $0x38;
	[tilespmem:$0xC900] =	vst v63  }
0x46: {  	s23 =	simm.s32 @p3 $0xFFFFFFF0;
	s21 =	sshrl.u32 s21, $0x3;
	s29 =	sadd.s32 s22, s4  }
0x47: {  	s23 =	simm.s32 @p1 $0x0;
	s21 =	sadd.s32 s2, s21;
	s31 =	sadd.s32 $0x4, s29  }
0x48: {  	[tilespmem:s18], [sflag:$0x1] =	stream.strided.gather [hbm4b:s21+s12], $0x800, s13, s12, $0x38;
	v7 =	vpsel p4, v5, v6;
	[tilespmem:$0xC900] =	vst v63  }
0x49: {  	v9 =	vpsel p0, v3, v5;
	s20 =	simm.s32 $0x4;
	v8 =	vmov s31;
	s21 =	sadd.s32 s23, s19;
	s19 =	smov.u32 s9;
	v7 =	vpsel p3, v3, v7  }
.LBB2_2:
0x4a: {  	s22 =	sadd.s32 s20, s4;
	vm1 =	veq.s32 v8, v0;
	v8 =	vpsel p2, v4, v9;
	v9 =	vmov s21;
	s18 =	sadd.s32 $0x1000, s18  }
0x4b: {  	s20 =	sadd.s32 $0x2, s20;
	v7 =	vpsel p1, v4, v7;
	s19 =	sadd.s32 $0x30E000, s19;
	s21 =	sadd.s32 $0x3, s22;
	v8 =	vnsel vm1, $0x0, v8;
	vm1 =	veq.s32 v9, v0  }
0x4c: {  	s23 =	sadd.s32 $0x2, s22;
	s22 =	sadd.s32 $0xFFFFF800, s18;
	p1 =	slt.u32 s21, $0x10;
	v7 =	vnsel vm1, $0x0, v7;
	(xrf0) =	vadd.scan.msk.s32 $0xffff, v8  }
0x4d: {  	p3 =	slt.u32 s21, $0x20;
	p4 =	slt.u32 s21, $0x30;
	(xrf0) =	vadd.scan.msk.s32 $0xffff, v7;
	s24 =	spop (v2sf)  }
0x4e: {  	p2 =	slt.u32 s23, $0x10;
	s25 =	sshra.s32 s24, $0x1F;
	s26 =	spop (v2sf)  }
0x4f: {  	p5 =	slt.s32 s24, $0x1;
	s28 =	sand.u32 $0x7F, s24;
	s25 =	sshrl.u32 s25, $0x19  }
0x50: {  	p6 =	sne.s32 s28, $0x0;
	s28 =	sshra.s32 s26, $0x1F;
	p0 =	slt.s32 s26, $0x1  }
0x51: {  	s24 =	sadd.s32 s25, s24;
	p5 =	por !p5, !p6;
	s25 =	sand.u32 $0x7F, s26  }
0x52: {  	p5 =	por !p5, !p5;
	p6 =	sne.s32 s25, $0x0;
	s25 =	simm.s32 $0x1  }
0x53: {  	s28 =	sshrl.u32 s28, $0x19;
	s24 =	sshrl.u32 s24, $0x7;
	s25 =	simm.s32 @!p5 $0x0  }
0x54: {  	v7, _, _ =	vpop (xrf0);
	p0 =	por !p0, !p6;
	s24 =	ssub.s32 s24, s25;
	s25 =	sadd.s32 s28, s26  }
0x55: {  	(v2sf) =	vpush v7, $0xF;
	v7, _, _ =	vpop (xrf0);
	p0 =	por !p0, !p0;
	s26 =	simm.s32 $0x1;
	s24 =	sshll.u32 s24, $0xA  }
0x56: {  	(v2sf) =	vpush v7, $0xF;
	s25 =	sshrl.u32 s25, $0x7;
	s26 =	simm.s32 @!p0 $0x0;
	p0 =	slt.u32 s23, $0x20  }
0x57: {  	s23 =	sadd.s32 s24, s19;
	s24 =	ssub.s32 s25, s26;
	s25 =	simm.s32 $0xFFFFFFE0  }
0x58: {  	s26 =	simm.s32 $0xFFFFFFF0;
	s25 =	simm.s32 @!p4 $0xFFFFFFDE  }
0x59: {  	s23 =	sadd.s32 $0xFFE79000, s23;
	s24 =	sshll.u32 s24, $0xA;
	s26 =	simm.s32 @!p0 $0xFFFFFFE0  }
0x5a: {  	v7 =	vpsel p4, v5, v6;
	p4 =	slt.u32 s20, $0x16;
	s23 =	sshrl.u32 s23, $0x3;
	s24 =	sadd.s32 s24, s19  }
0x5b: {  	s26 =	simm.s32 @p2 $0x0;
	s23 =	sadd.s32 s2, s23;
	s24 =	sshrl.u32 s24, $0x3  }
0x5c: {  	[tilespmem:s22], [sflag:$0x1] =	stream.strided.gather [hbm4b:s23+s12], $0x800, s13, s12, $0x38;
	[tilespmem:$0xC900] =	vst v63  }
.Ltmp0:
0x5d: {  	_ = 	snop;
	(pc) =	sbr.rel @p4 .LBB2_2-.Ltmp0, $4  }
0x5e: {  	s25 =	simm.s32 @p3 $0xFFFFFFF0;
	s22 =	sadd.s32 s26, s4;
	s23 =	sadd.s32 s2, s24  }
0x5f: {  	[tilespmem:s18], [sflag:$0x1] =	stream.strided.gather [hbm4b:s23+s12], $0x800, s13, s12, $0x38;
	[tilespmem:$0xC900] =	vst v63  }
0x60: {  	s25 =	simm.s32 @p1 $0x0;
	s22 =	sadd.s32 s22, s20  }
0x61: {  	v9 =	vpsel p0, v3, v5;
	v7 =	vpsel p3, v3, v7;
	s21 =	sadd.s32 s25, s21;
	v8 =	vmov s22  }
0x62: {  	vm1 =	veq.s32 v8, v0;
	v8 =	vpsel p2, v4, v9;
	v9 =	vmov s21  }
0x63: {  	v7 =	vpsel p1, v4, v7;
	v8 =	vnsel vm1, $0x0, v8;
	vm1 =	veq.s32 v9, v0  }
0x64: {  	(xrf0) =	vadd.scan.msk.s32 $0xffff, v8;
	v7 =	vnsel vm1, $0x0, v7  }
0x65: {  	(xrf0) =	vadd.scan.msk.s32 $0xffff, v7;
	_ =	sdelay $0x3  }
0x66: {  	s19 =	sadd.s32 $0x30E000, s19;
	s20 =	spop (v2sf)  }
0x67: {  	s24 =	simm.s32 $0x1;
	s30 =	sshra.s32 s20, $0x1F;
	s22 =	spop (v2sf);
	v7, _, _ =	vpop (xrf0)  }
0x68: {  	s23 =	sand.u32 $0x7F, s20;
	p0 =	slt.s32 s20, $0x1;
	s21 =	sshrl.u32 s30, $0x19;
	(v2sf) =	vpush v7, $0xF;
	v7, _, _ =	vpop (xrf0)  }
0x69: {  	p4 =	sne.s32 s23, $0x0;
	s31 =	sshra.s32 s22, $0x1F;
	p5 =	slt.s32 s22, $0x1;
	(v2sf) =	vpush v7, $0xF  }
0x6a: {  	s0 =	sand.u32 $0x7F, s22;
	s20 =	sadd.s32 s21, s20;
	p0 =	por !p0, !p4  }
0x6b: {  	p6 =	sne.s32 s0, $0x0;
	s23 =	sshrl.u32 s31, $0x19;
	s0 =	sld [smem:$0x7FD]  }
0x6c: {  	p0 =	por !p0, !p0;
	s20 =	sshrl.u32 s20, $0x7;
	p1 =	por !p5, !p6  }
0x6d: {  	s21 =	sadd.s32 s23, s22;
	s22 =	simm.s32 $0x1;
	s24 =	simm.s32 @!p0 $0x0  }
0x6e: {  	p0 =	por !p1, !p1;
	s20 =	ssub.s32 s20, s24;
	p2 =	seq.s32 s0, $0x1  }
0x6f: {  	s21 =	sshrl.u32 s21, $0x7;
	s22 =	simm.s32 @!p0 $0x0;
	s20 =	sshll.u32 s20, $0xA;
	v7 =	vpsel p2, v3, v6  }
0x70: {  	s21 =	ssub.s32 s21, s22;
	s20 =	sadd.s32 s20, s19;
	v7 =	vnsel vm0, $0x0, v7  }
0x71: {  	s21 =	sshll.u32 s21, $0xA;
	s20 =	sadd.s32 $0xFFE79000, s20;
	(xrf0) =	vadd.scan.msk.s32 $0xffff, v7  }
0x72: {  	s18 =	sadd.s32 $0x1000, s18;
	s21 =	sadd.s32 s21, s19;
	s20 =	sshrl.u32 s20, $0x3  }
0x73: {  	s25 =	sadd.s32 $0xFFFFF800, s18;
	s21 =	sshrl.u32 s21, $0x3;
	s20 =	sadd.s32 s2, s20  }
0x74: {  	[tilespmem:s25], [sflag:$0x1] =	stream.strided.gather [hbm4b:s20+s12], $0x800, s13, s12, $0x38;
	[tilespmem:$0xC900] =	vst v63  }
0x75: {  	s26 =	sadd.s32 s2, s21  }
0x76: {  	[tilespmem:s18], [sflag:$0x1] =	stream.strided.gather [hbm4b:s26+s12], $0x800, s13, s12, $0x38;
	[tilespmem:$0xC900] =	vst v63  }
0x77: {  	s24 =	simm.s32 $0x1;
	s22 =	simm.s32 $0x1;
	v7, _, _ =	vpop (xrf0);
	s30 =	spop (v2sf)  }
0x78: {  	s19 =	sadd.s32 $0x30E000, s19;
	s31 =	sshra.s32 s30, $0x1F;
	s0 =	spop (v2sf);
	(v2sf) =	vpush v7, $0xF  }
0x79: {  	s25 =	sand.u32 $0x7F, s30;
	p3 =	slt.s32 s30, $0x1;
	s21 =	sshrl.u32 s31, $0x19  }
0x7a: {  	p4 =	sne.s32 s25, $0x0;
	s26 =	sshra.s32 s0, $0x1F;
	p5 =	slt.s32 s0, $0x1  }
0x7b: {  	s20 =	sadd.s32 s21, s30;
	p0 =	por !p3, !p4;
	s30 =	sand.u32 $0x7F, s0  }
0x7c: {  	s31 =	sshrl.u32 s26, $0x19;
	p0 =	por !p0, !p0;
	p6 =	sne.s32 s30, $0x0  }
0x7d: {  	s20 =	sshrl.u32 s20, $0x7;
	s24 =	simm.s32 @!p0 $0x0;
	p3 =	por !p5, !p6  }
0x7e: {  	s21 =	sadd.s32 s31, s0;
	s20 =	ssub.s32 s20, s24;
	p0 =	por !p3, !p3  }
0x7f: {  	s21 =	sshrl.u32 s21, $0x7;
	s20 =	sshll.u32 s20, $0xA;
	s22 =	simm.s32 @!p0 $0x0  }
0x80: {  	s20 =	sadd.s32 s20, s19;
	s21 =	ssub.s32 s21, s22  }
0x81: {  	s20 =	sadd.s32 $0xFFE79000, s20;
	s21 =	sshll.u32 s21, $0xA  }
0x82: {  	s18 =	sadd.s32 $0x1000, s18;
	s20 =	sshrl.u32 s20, $0x3;
	s19 =	sadd.s32 s21, s19  }
0x83: {  	s0 =	sadd.s32 $0xFFFFF800, s18;
	s20 =	sadd.s32 s2, s20;
	s19 =	sshrl.u32 s19, $0x3  }
0x84: {  	[tilespmem:s0], [sflag:$0x1] =	stream.strided.gather [hbm4b:s20+s12], $0x800, s13, s12, $0x38;
	[tilespmem:$0xC900] =	vst v63  }
0x85: {  	s19 =	sadd.s32 s2, s19  }
0x86: {  	[tilespmem:s18], [sflag:$0x1] =	stream.strided.gather [hbm4b:s19+s12], $0x800, s13, s12, $0x38;
	[tilespmem:$0xC900] =	vst v63  }
0x87: {  	s18 =	spop (v2sf)  }
0x88: {  	s21 =	sand.u32 $0x7F, s18  }
0x89: {  	s22 =	sshra.s32 s18, $0x1F;
	p4 =	slt.s32 s18, $0x1;
	p5 =	sne.s32 s21, $0x0  }
0x8a: {  	s23 =	sshrl.u32 s22, $0x19;
	p0 =	por !p4, !p5  }
0x8b: {  	s20 =	simm.s32 $0x1;
	s19 =	sadd.s32 s23, s18;
	p0 =	por !p0, !p0  }
0x8c: {  	s24 =	sadd.s32 $0x0, s4;
	s19 =	sshra.s32 s19, $0x7;
	s20 =	simm.s32 @!p0 $0x0  }
0x8d: {  	p1 =	slt.u32 s24, $0x20;
	s25 =	sadd.s32 $0x1, s24;
	s19 =	ssub.s32 s19, s20  }
0x8e: {  	p2 =	slt.u32 s24, $0x10;
	s21 =	simm.s32 $0xFFFFFFF0;
	s20 =	sshll.u32 s19, $0xA  }
0x8f: {  	p3 =	slt.u32 s25, $0x20;
	s21 =	simm.s32 @!p1 $0xFFFFFFE0;
	s20 =	sadd.s32 s6, s20  }
0x90: {  	s23 =	simm.s32 $0xFFFFFFE0;
	p0 =	slt.u32 s25, $0x30;
	s20 =	sshrl.u32 s20, $0x3  }
0x91: {  	s21 =	simm.s32 @p2 $0x0;
	s23 =	simm.s32 @!p0 $0xFFFFFFDE;
	s20 =	sadd.s32 s2, s20  }
0x92: {  	[tilespmem:s14], [sflag:$0x1] =	stream.strided.gather [hbm4b:s20+s12], $0x800, s13, s12, $0x38;
	[tilespmem:$0xC900] =	vst v63  }
0x93: {  	p4 =	slt.u32 s25, $0x10;
	s23 =	simm.s32 @p3 $0xFFFFFFF0;
	s20 =	sadd.s32 s21, s24  }
0x94: {  	v7 =	vpsel p1, v3, v5;
	s23 =	simm.s32 @p4 $0x0;
	v8 =	vmov s20  }
0x95: {  	v7 =	vpsel p2, v4, v7;
	s26 =	sadd.s32 s23, s25;
	vm1 =	veq.s32 v8, v0;
	v8 =	vpsel p0, v5, v6  }
0x96: {  	v9 =	vmov s26;
	_ =	swait.ge [sflag:s11], $0xC800;
	v7 =	vnsel vm1, $0x0, v7;
	v8 =	vpsel p3, v3, v8  }
0x97: {  	vm1 =	veq.s32 v9, v0;
	(xrf0) =	vadd.scan.msk.s32 $0xffff, v7;
	v7 =	vpsel p4, v4, v8  }
0x98: {  	v7 =	vnsel vm1, $0x0, v7  }
0x99: {  	(xrf0) =	vadd.scan.msk.s32 $0xffff, v7;
	_ =	sdelay $0x3  }
0x9a: {  	s30 =	sadd.s32 $0x2, s4;
	v7, _, _ =	vpop (xrf0)  }
0x9b: {  	s21 =	simm.s32 $0xFFFFFFF0;
	p0 =	slt.u32 s30, $0x20;
	(v2sf) =	vpush v7, $0xF  }
0x9c: {  	p1 =	slt.u32 s30, $0x10;
	s21 =	simm.s32 @!p0 $0xFFFFFFE0;
	v7, _, _ =	vpop (xrf0)  }
0x9d: {  	s21 =	simm.s32 @p1 $0x0;
	(v2sf) =	vpush v7, $0xF  }
0x9e: {  	s20 =	sadd.s32 $0x1, s30;
	s21 =	sadd.s32 s21, s30  }
0x9f: {  	v8 =	vmov s21;
	s21 =	simm.s32 $0xFFFFFFE0;
	v7 =	vpsel p0, v3, v5;
	p0 =	slt.u32 s20, $0x30  }
0xa0: {  	v7 =	vpsel p1, v4, v7;
	p1 =	slt.u32 s20, $0x20;
	s21 =	simm.s32 @!p0 $0xFFFFFFDE  }
0xa1: {  	p2 =	slt.u32 s20, $0x10;
	vm1 =	veq.s32 v8, v0;
	s21 =	simm.s32 @p1 $0xFFFFFFF0  }
0xa2: {  	v7 =	vnsel vm1, $0x0, v7;
	s21 =	simm.s32 @p2 $0x0  }
0xa3: {  	(xrf0) =	vadd.scan.msk.s32 $0xffff, v7;
	v7 =	vpsel p0, v5, v6;
	s20 =	sadd.s32 s21, s20  }
0xa4: {  	s31 =	sadd.s32 $0x4, s4;
	v7 =	vpsel p1, v3, v7;
	v8 =	vmov s20  }
0xa5: {  	s0 =	sadd.s32 $0x1, s31;
	s22 =	simm.s32 $0x2;
	v7 =	vpsel p2, v4, v7;
	vm1 =	veq.s32 v8, v0  }
0xa6: {  	s26 =	simm.s32 $0xFFFFFFE0;
	s24 =	simm.s32 $0xFFFFFFF0;
	[sflag:s11] =	ssyncset.done $0x0;
	v7 =	vnsel vm1, $0x0, v7  }
0xa7: {  	[sflag:s11] =	ssyncadd.s32 $0xFFFF3800;
	p3 =	slt.u32 s0, $0x20;
	p4 =	slt.u32 s31, $0x20  }
0xa8: {  	s24 =	simm.s32 @!p4 $0xFFFFFFE0;
	s30 =	simm.s32 $0x1;
	p1 =	slt.u32 s31, $0x10;
	(xrf0) =	vadd.scan.msk.s32 $0xffff, v7  }
0xa9: {  	s20 =	simm.s32 $0x4;
	p2 =	slt.u32 s0, $0x30;
	s24 =	simm.s32 @p1 $0x0;
	v7, _, _ =	vpop (xrf0)  }
0xaa: {  	s26 =	simm.s32 @!p2 $0xFFFFFFDE;
	s21 =	sadd.s32 s24, s31;
	(v2sf) =	vpush v7, $0xF;
	s25 =	spop (v2sf)  }
0xab: {  	s26 =	simm.s32 @p3 $0xFFFFFFF0;
	v8 =	vmov s21;
	s21 =	simm.s32 $0x6;
	s28 =	sand.u32 $0x7F, s25  }
0xac: {  	p6 =	slt.s32 s25, $0x1;
	p5 =	sne.s32 s28, $0x0;
	s28 =	spop (v2sf)  }
0xad: {  	p0 =	por !p6, !p5;
	s29 =	sand.u32 $0x7F, s28;
	p5 =	slt.s32 s28, $0x1  }
0xae: {  	v7, _, _ =	vpop (xrf0);
	p0 =	por !p0, !p0;
	p6 =	sne.s32 s29, $0x0;
	s29 =	sshra.s32 s25, $0x1F  }
0xaf: {  	(v2sf) =	vpush v7, $0xF;
	s30 =	simm.s32 @!p0 $0x0;
	p5 =	por !p5, !p6;
	p0 =	slt.u32 s0, $0x10  }
0xb0: {  	s31 =	sshrl.u32 s29, $0x19;
	s29 =	sshra.s32 s28, $0x1F;
	s26 =	simm.s32 @p0 $0x0  }
0xb1: {  	s24 =	sadd.s32 s31, s25;
	p5 =	por !p5, !p5;
	s31 =	simm.s32 $0x0  }
0xb2: {  	s23 =	sadd.s32 s26, s0;
	s24 =	sshrl.u32 s24, $0x7;
	s0 =	sshrl.u32 s29, $0x19  }
0xb3: {  	v7 =	vpsel p4, v3, v5;
	s29 =	simm.s32 $0x1;
	s26 =	sadd.s32 s0, s28;
	s24 =	ssub.s32 s30, s24  }
0xb4: {  	v9 =	vpsel p2, v5, v6;
	vm1 =	veq.s32 v8, v0;
	v7 =	vpsel p1, v4, v7;
	s29 =	simm.s32 @!p5 $0x0;
	s26 =	sshrl.u32 s26, $0x7;
	s24 =	sshll.u32 s24, $0x7  }
0xb5: {  	v8 =	vpsel p3, v3, v9;
	v7 =	vnsel vm1, $0x0, v7;
	v9 =	vmov s23;
	s26 =	ssub.s32 s29, s26;
	s25 =	sadd.s32 s25, s24;
	s24 =	sadd.s32 $0x6, s4  }
0xb6: {  	v8 =	vpsel p0, v4, v8;
	vm1 =	veq.s32 v9, v0;
	s29 =	simm.s32 $0xFFFFFFF0;
	s30 =	sshll.u32 s26, $0x7;
	v9 =	vmov s25;
	s26 =	sadd.s32 $0x1, s24  }
0xb7: {  	(xrf0) =	vadd.scan.msk.s32 $0xffff, v7;
	v7 =	vnsel vm1, $0x0, v8;
	p5 =	slt.u32 s24, $0x10;
	p3 =	slt.u32 s24, $0x20;
	s25 =	sadd.s32 s28, s30;
	v8 =	vand.u32 $0xFFFFFF80, v9  }
0xb8: {  	(xrf0) =	vadd.scan.msk.s32 $0xffff, v7;
	s28 =	simm.s32 $0x800;
	v9 =	vand.u32 $0x7F, v9;
	p2 =	slt.u32 s26, $0x30;
	s29 =	simm.s32 @!p3 $0xFFFFFFE0;
	v7 =	vadd.s32 s31, v8  }
0xb9: {  	p4 =	slt.u32 s26, $0x20;
	s23 =	spop (v2sf);
	s31 =	simm.s32 $0xFFFFFFE0;
	v7 =	vor.u32 v9, v7  }
0xba: {  	s29 =	simm.s32 @p5 $0x0;
	s0 =	sand.u32 $0x7F, s23;
	s31 =	simm.s32 @!p2 $0xFFFFFFDE;
	v9 =	vadd.s32 v1, v7  }
0xbb: {  	p1 =	slt.s32 s23, $0x1;
	p6 =	sne.s32 s0, $0x0;
	v7 =	vmov s25;
	s31 =	simm.s32 @p4 $0xFFFFFFF0  }
0xbc: {  	s0 =	sshra.s32 s23, $0x1F;
	s25 =	simm.s32 $0x8;
	p0 =	por !p1, !p6;
	v8 =	vand.u32 $0xFFFFFF80, v7  }
0xbd: {  	v10, _, _ =	vpop (xrf0);
	p6 =	slt.u32 s26, $0x10;
	v7 =	vand.u32 $0x7F, v7;
	s30 =	sshrl.u32 s0, $0x19;
	v8 =	vadd.s32 s28, v8;
	s28 =	sadd.s32 s29, s24  }
0xbe: {  	(v2sf) =	vpush v10, $0xF;
	s31 =	simm.s32 @p6 $0x0;
	v10, _, _ =	vpop (xrf0);
	s29 =	sadd.s32 s30, s23;
	s24 =	spop (v2sf);
	v8 =	vor.u32 v7, v8  }
0xbf: {  	p0 =	por !p0, !p0;
	s26 =	sadd.s32 s31, s26;
	v7 =	vimm.f32 $0.0e+00;
	(v2sf) =	vpush v10, $0xF;
	s29 =	sshrl.u32 s29, $0x7;
	v8 =	vadd.s32 v1, v8;
	v9 =	vld.idx.msk [tilespmem:v9+s15+$0x0], $0xffff  }
.LBB2_4:
0xc0: {  	p1 =	slt.u32 s25, $0x16  }
0xc1: {  	s0 =	simm.s32 @!p1 $0x0  }
0xc2: {  	s30 =	sshra.s32 s24, $0x1F;
	s31 =	sand.u32 $0x7F, s24;
	s0 =	simm.s32 @p1 $0x1  }
0xc3: {  	v11 =	vmov s28;
	s28 =	sshrl.u32 s30, $0x19;
	[smem:$0x7FA] =	sst s0;
	s0 =	smov.u32 s22  }
0xc4: {  	s22 =	smov.u32 s20;
	s20 =	smov.u32 s21;
	s21 =	simm.s32 $0x1  }
0xc5: {  	p1 =	sne.s32 s31, $0x0;
	s21 =	simm.s32 @!p0 $0x0;
	p0 =	slt.s32 s24, $0x1  }
0xc6: {  	v61 =	vmov s26;
	s26 =	simm.s32 $0x1;
	s28 =	sadd.s32 s28, s24;
	p0 =	por !p0, !p1  }
0xc7: {  	v10 =	vpsel p3, v3, v5;
	s30 =	sshrl.u32 s28, $0x7;
	s21 =	ssub.s32 s21, s29;
	p0 =	por !p0, !p0  }
0xc8: {  	v8 =	vld.idx.msk [tilespmem:v8+s15+$0x0], $0xffff;
	v10 =	vpsel p5, v4, v10;
	vm1 =	veq.s32 v11, v0;
	s0 =	sshll.u32 s0, $0xB;
	s21 =	sshll.u32 s21, $0x7;
	s26 =	simm.s32 @!p0 $0x0  }
0xc9: {  	v12 =	vpsel p2, v5, v6;
	v10 =	vnsel vm1, $0x0, v10;
	s31 =	sadd.s32 $0x800, s0;
	s21 =	sadd.s32 s23, s21;
	s23 =	ssub.s32 s26, s30  }
0xca: {  	v11 =	vpsel p4, v3, v12;
	(xrf0) =	vadd.scan.msk.s32 $0xffff, v10;
	v9 =	vmax.f32 v9, $-3.000000000e+01;
	v10 =	vmov s21;
	s26 =	sadd.s32 s25, s4;
	s30 =	simm.s32 $0xFFFFFFE0;
	s23 =	sshll.u32 s23, $0x7  }
0xcb: {  	v9 =	vmin.f32 v9, $3.000000000e+01;
	v62 =	vand.u32 $0x7F, v10;
	s29 =	sadd.s32 $0x1, s26;
	v10 =	vand.u32 $0xFFFFFF80, v10;
	p5 =	slt.u32 s26, $0x10;
	p3 =	slt.u32 s26, $0x20  }
0xcc: {  	v11 =	vpsel p6, v4, v11;
	v7 =	vadd.f32 v9, v7;
	s23 =	sadd.s32 s24, s23;
	p2 =	slt.u32 s29, $0x30;
	v9 =	vadd.s32 s0, v10;
	s0 =	simm.s32 $0xFFFFFFF0  }
0xcd: {  	vm1 =	veq.s32 v61, v0;
	v8 =	vmax.f32 v8, $-3.000000000e+01;
	p4 =	slt.u32 s29, $0x20;
	v10 =	vmov s23;
	s0 =	simm.s32 @!p3 $0xFFFFFFE0;
	s30 =	simm.s32 @!p2 $0xFFFFFFDE  }
0xce: {  	v11 =	vnsel vm1, $0x0, v11;
	v8 =	vmin.f32 v8, $3.000000000e+01;
	p6 =	slt.u32 s29, $0x10;
	v63 =	vand.u32 $0xFFFFFF80, v10;
	s0 =	simm.s32 @p5 $0x0;
	s30 =	simm.s32 @p4 $0xFFFFFFF0  }
0xcf: {  	v7 =	vadd.f32 v8, v7;
	v8 =	vand.u32 $0x7F, v10;
	v10 =	vadd.s32 s31, v63;
	s30 =	simm.s32 @p6 $0x0;
	s23 =	spop (v2sf);
	s31 =	sld [smem:$0x7FA]  }
0xd0: {  	(xrf0) =	vadd.scan.msk.s32 $0xffff, v11;
	s28 =	sadd.s32 s0, s26;
	s26 =	sadd.s32 s30, s29;
	s30 =	sand.u32 $0x7F, s23  }
0xd1: {  	v9 =	vor.u32 v62, v9;
	p0 =	slt.s32 s23, $0x1;
	p1 =	sne.s32 s30, $0x0  }
0xd2: {  	v9 =	vadd.s32 v1, v9;
	p0 =	por !p0, !p1;
	p1 =	seq.s32 s31, $0x1  }
.Ltmp1:
0xd3: {  	_ = 	snop;
	(pc) =	sbr.rel @p1 .LBB2_4-.Ltmp1, $4  }
0xd4: {  	s24 =	sshra.s32 s23, $0x1F  }
0xd5: {  	v11, _, _ =	vpop (xrf0);
	s0 =	sshrl.u32 s24, $0x19  }
0xd6: {  	s21 =	smov.u32 s25;
	s25 =	sadd.s32 $0x2, s25;
	(v2sf) =	vpush v11, $0xF;
	v8 =	vor.u32 v8, v10;
	v10, _, _ =	vpop (xrf0);
	s0 =	sadd.s32 s0, s23  }
0xd7: {  	v8 =	vadd.s32 v1, v8;
	s24 =	spop (v2sf);
	(v2sf) =	vpush v10, $0xF;
	s29 =	sshrl.u32 s0, $0x7;
	p0 =	por !p0, !p0;
	v9 =	vld.idx.msk [tilespmem:v9+s15+$0x0], $0xffff  }
0xd8: {  	_ =	sdelay $0x2  }
0xd9: {  	v10 =	vpsel p3, v3, v5;
	v11 =	vmov s28  }
0xda: {  	v10 =	vpsel p5, v4, v10;
	vm1 =	veq.s32 v11, v0  }
0xdb: {  	v39 =	vpsel p2, v5, v6;
	v10 =	vnsel vm1, $0x0, v10  }
0xdc: {  	v40 =	vmov s26;
	v3 =	vpsel p4, v3, v39;
	(xrf0) =	vadd.scan.msk.s32 $0xffff, v10  }
0xdd: {  	v3 =	vpsel p6, v4, v3;
	vm1 =	veq.s32 v40, v0  }
0xde: {  	v3 =	vnsel vm1, $0x0, v3  }
0xdf: {  	(xrf0) =	vadd.scan.msk.s32 $0xffff, v3  }
0xe0: {  	s0 =	simm.s32 $0x1  }
0xe1: {  	s25 =	sshra.s32 s24, $0x1F;
	s30 =	sand.u32 $0x7F, s24;
	s28 =	simm.s32 $0x1  }
0xe2: {  	s0 =	simm.s32 @!p0 $0x0;
	p4 =	slt.s32 s24, $0x1;
	p1 =	sne.s32 s30, $0x0;
	v3, _, _ =	vpop (xrf0)  }
0xe3: {  	s25 =	sshrl.u32 s25, $0x19;
	p0 =	por !p4, !p1;
	s26 =	spop (v2sf);
	(v2sf) =	vpush v3, $0xF  }
0xe4: {  	s0 =	ssub.s32 s0, s29;
	s25 =	sadd.s32 s25, s24;
	p0 =	por !p0, !p0  }
0xe5: {  	s0 =	sshll.u32 s0, $0x7;
	s25 =	sshrl.u32 s25, $0x7;
	s28 =	simm.s32 @!p0 $0x0;
	v3, _, _ =	vpop (xrf0)  }
0xe6: {  	s0 =	sadd.s32 s23, s0;
	s23 =	ssub.s32 s28, s25;
	s25 =	spop (v2sf);
	(v2sf) =	vpush v3, $0xF  }
0xe7: {  	s22 =	sshll.u32 s22, $0xB;
	s20 =	sshll.u32 s20, $0xB;
	s23 =	sshll.u32 s23, $0x7  }
0xe8: {  	s29 =	simm.s32 $0x1;
	s23 =	sadd.s32 s24, s23;
	s31 =	sshra.s32 s26, $0x1F  }
0xe9: {  	s30 =	sand.u32 $0x7F, s26;
	p5 =	slt.s32 s26, $0x1;
	v3 =	vmov s0;
	s0 =	sadd.s32 $0x800, s20  }
0xea: {  	s28 =	sshrl.u32 s31, $0x19;
	p6 =	sne.s32 s30, $0x0;
	s31 =	sand.u32 $0x7F, s25  }
0xeb: {  	s30 =	simm.s32 $0x1;
	p1 =	slt.s32 s25, $0x1;
	p0 =	por !p5, !p6  }
0xec: {  	s28 =	sadd.s32 s28, s26;
	p2 =	sne.s32 s31, $0x0;
	p0 =	por !p0, !p0  }
0xed: {  	s24 =	sshrl.u32 s28, $0x7;
	s28 =	sshra.s32 s25, $0x1F;
	s30 =	simm.s32 @!p0 $0x0  }
0xee: {  	s28 =	sshrl.u32 s28, $0x19;
	p0 =	por !p1, !p2;
	s24 =	ssub.s32 s30, s24  }
0xef: {  	v41 =	vmov s23;
	s28 =	sadd.s32 s28, s25;
	p0 =	por !p0, !p0;
	s30 =	sadd.s32 $0x800, s22  }
0xf0: {  	v44 =	vand.u32 $0xFFFFFF80, v41;
	s24 =	sshll.u32 s24, $0x7;
	s28 =	sshrl.u32 s28, $0x7;
	s29 =	simm.s32 @!p0 $0x0  }
0xf1: {  	v42 =	vmax.f32 v9, $-3.000000000e+01;
	v9 =	vadd.s32 s30, v44;
	s30 =	simm.s32 $0x1;
	s24 =	sadd.s32 s26, s24;
	s29 =	ssub.s32 s29, s28  }
0xf2: {  	s26 =	sshll.u32 s29, $0x7;
	v45 =	vmov s24;
	s24 =	simm.s32 $0x1;
	s28 =	spop (v2sf)  }
0xf3: {  	s25 =	sadd.s32 s25, s26;
	s26 =	sshra.s32 s28, $0x1F;
	s31 =	sand.u32 $0x7F, s28  }
0xf4: {  	p3 =	slt.s32 s28, $0x1;
	s26 =	sshrl.u32 s26, $0x19;
	p4 =	sne.s32 s31, $0x0  }
0xf5: {  	v43 =	vand.u32 $0xFFFFFF80, v3;
	s29 =	sadd.s32 s26, s28;
	p0 =	por !p3, !p4;
	s26 =	spop (v2sf)  }
0xf6: {  	v3 =	vand.u32 $0x7F, v3;
	v6 =	vadd.s32 s22, v43;
	s23 =	sshrl.u32 s29, $0x7;
	p0 =	por !p0, !p0;
	s31 =	sand.u32 $0x7F, s26  }
0xf7: {  	v4 =	vand.u32 $0x7F, v41;
	v3 =	vor.u32 v3, v6;
	s22 =	sshra.s32 s26, $0x1F;
	p5 =	slt.s32 s26, $0x1;
	p6 =	sne.s32 s31, $0x0  }
0xf8: {  	v8 =	vld.idx.msk [tilespmem:v8+s15+$0x0], $0xffff;
	v5 =	vmin.f32 v42, $3.000000000e+01;
	v3 =	vadd.s32 v1, v3;
	v4 =	vor.u32 v4, v9;
	s30 =	simm.s32 @!p0 $0x0;
	s22 =	sshrl.u32 s22, $0x19;
	p0 =	por !p5, !p6  }
0xf9: {  	v4 =	vadd.s32 v1, v4;
	v46 =	vand.u32 $0xFFFFFF80, v45;
	v47 =	vmov s25;
	s23 =	ssub.s32 s30, s23;
	s22 =	sadd.s32 s22, s26;
	p0 =	por !p0, !p0  }
0xfa: {  	v6 =	vand.u32 $0x7F, v45;
	v9 =	vadd.s32 s20, v46;
	v48 =	vand.u32 $0xFFFFFF80, v47;
	s31 =	sshll.u32 s23, $0x7;
	s22 =	sshrl.u32 s22, $0x7;
	s24 =	simm.s32 @!p0 $0x0  }
0xfb: {  	v6 =	vor.u32 v6, v9;
	v49 =	vand.u32 $0x7F, v47;
	v50 =	vadd.s32 s0, v48;
	s23 =	sadd.s32 s28, s31;
	s25 =	ssub.s32 s24, s22  }
0xfc: {  	v6 =	vadd.s32 v1, v6;
	v9 =	vor.u32 v49, v50;
	v51 =	vmov s23;
	s28 =	sshll.u32 s25, $0x7  }
0xfd: {  	v8 =	vmax.f32 v8, $-3.000000000e+01;
	v3 =	vld.idx.msk [tilespmem:v3+s15+$0x0], $0xffff;
	v52 =	vadd.s32 v1, v9;
	s29 =	sshll.u32 s21, $0xB;
	v53 =	vand.u32 $0xFFFFFF80, v51;
	s0 =	sadd.s32 s26, s28  }
0xfe: {  	v10 =	vand.u32 $0x7F, v51;
	v9 =	vadd.s32 s29, v53;
	v54 =	vmov s0  }
0xff: {  	v5 =	vadd.f32 v5, v7;
	v4 =	vld.idx.msk [tilespmem:v4+s15+$0x0], $0xffff;
	s30 =	sadd.s32 $0x800, s29;
	v9 =	vor.u32 v10, v9;
	v55 =	vand.u32 $0xFFFFFF80, v54  }
0x100: {  	v9 =	vadd.s32 v1, v9;
	v11 =	vand.u32 $0x7F, v54;
	v10 =	vadd.s32 s30, v55  }
0x101: {  	v8 =	vmin.f32 v8, $3.000000000e+01;
	v6 =	vld.idx.msk [tilespmem:v6+s15+$0x0], $0xffff;
	v10 =	vor.u32 v11, v10  }
0x102: {  	v5 =	vadd.f32 v8, v5;
	v3 =	vmax.f32 v3, $-3.000000000e+01;
	s31 =	sshll.u32 s19, $0x7;
	v56 =	vadd.s32 v1, v10  }
0x103: {  	v3 =	vmin.f32 v3, $3.000000000e+01;
	v7 =	vld.idx.msk [tilespmem:v52+s15+$0x0], $0xffff;
	s0 =	ssub.s32 s18, s31  }
0x104: {  	v3 =	vadd.f32 v3, v5;
	v4 =	vmax.f32 v4, $-3.000000000e+01;
	v57 =	vadd.s32 s0, v2  }
0x105: {  	v4 =	vmin.f32 v4, $3.000000000e+01;
	v9 =	vld.idx.msk [tilespmem:v9+s15+$0x0], $0xffff  }
0x106: {  	v3 =	vadd.f32 v4, v3;
	v58 =	vmax.f32 v6, $-3.000000000e+01  }
0x107: {  	v4 =	vmin.f32 v58, $3.000000000e+01;
	v59 =	vld.idx.msk [tilespmem:v56+s15+$0x0], $0xffff  }
0x108: {  	v3 =	vadd.f32 v4, v3;
	v60 =	vmax.f32 v7, $-3.000000000e+01  }
0x109: {  	v4 =	vmin.f32 v60, $3.000000000e+01;
	v5 =	vld.idx.msk [tilespmem:v57+s15+$0x0], $0xffff  }
0x10a: {  	v3 =	vadd.f32 v4, v3;
	v61 =	vmax.f32 v9, $-3.000000000e+01  }
0x10b: {  	v4 =	vmin.f32 v61, $3.000000000e+01  }
0x10c: {  	v3 =	vadd.f32 v4, v3;
	v62 =	vmax.f32 v59, $-3.000000000e+01  }
0x10d: {  	v4 =	vmin.f32 v62, $3.000000000e+01  }
0x10e: {  	v63 =	vmax.f32 v5, $-3.000000000e+01;
	v3 =	vadd.f32 v4, v3  }
0x10f: {  	v4 =	vmin.f32 v63, $3.000000000e+01  }
0x110: {  	s17 =	sadd.s32 $0x1, s17;
	v3 =	vadd.f32 v4, v3  }
0x111: {  	p0 =	sne.s32 s17, s8  }
.Ltmp2:
0x112: {  	[tilespmem:$0xC880] =	vst v3;
	(pc) =	sbr.rel @p0 .LBB2_1-.Ltmp2, $4  }
0x113: {  	[hbm4b:s7+s3] =	stream.linear.scatter [tilespmem:s16], [sflag:$0x2], $0x80, $0x38;
	[tilespmem:$0xC900] =	vst v63  }
0x114: {  	_ =	swait.ge [sflag:s10], $0x80  }
0x115: {  	[sflag:s10] =	ssyncset.done $0x0  }
0x116: {  	[sflag:s10] =	ssyncadd.s32 $0xFFFFFF80  }
0x117: {  	_ =	sfence.sel $0x180000  }
0x118: {  	[bflag:$0x0] =	sbarrier.arrive $0xFFFF  }
0x119: {  	_ =	strace $0x90000047  }
0x11a: {  	[bflag:$0x2] =	sbarrier.arrive $0xFFFF  }
0x11b: {  	p0 =	sne.s32 s1, $0x0;
	s0 =	rddreg [dreg:$0x3]  }
0x11c: {  	s0 =	sadd.s32 @!p0 $0x100000, s0  }
0x11d: {  	[sflag:s0] =	ssyncadd.tile.s32 @!p0 $0x1;
	_ =	shalt  }
.Lfunc_end2:
_tile_overlayer_lowered:
.L_overlay_start_2:
0x11e: {  	(tag) =	ssettag $0x2  }
0x11f: {  	s0 =	rddreg [dreg:$0x0];
	s2 =	stileid.u32  }
0x120: {  	s1 =	rddreg [dreg:$0x1];
	p0 =	sne.s32 s2, $0x0  }
0x121: {  	s3 =	rddreg [dreg:$0x2];
	[bflag:$0x3] =	sbarrier.arrive $0xFFFF;
	s2 =	simm.s32 @!p0 $0x1C02  }
0x122: {  	[timem:s3], [sflag:s2] =	dma.local @!p0 [hbm:s0], s1  }
0x123: {  	s0 =	simm.s32 @!p0 $0x2  }
0x124: {  	_ =	swait.ge @!p0 [sflag:s0], s1  }
0x125: {  	s1 =	ssub.s32 @!p0 $0x0, s1;
	[sflag:s0] =	ssyncset.done @!p0 $0x0  }
0x126: {  	[sflag:s0] =	ssyncadd.s32 @!p0 s1  }
0x127: {  	[bflag:$0x3] =	sbarrier.arrive $0xFFFF  }
0x128: {  	_ =	shalt  }

</sc_bundles>
